<compile_context>
chip_gen: v7x
topology: tpu7x:2x2x1
jax: 0.10.2.dev20260603
libtpu: 0.0.44.dev20260713+nightly
codegen_flags: <defaults>
</compile_context>

<pallas_src>
import functools
import jax
import jax.numpy as jnp
import numpy as np
from jax import lax
from jax.experimental import pallas as pl
from jax.experimental.pallas import tpu as pltpu
from jax.experimental.pallas import tpu_sc as plsc

KNN = 24
CHS = [12, 64, 128, 256]
NB, NPT = 2, 2048
LKN = KNN * NPT


def _rup(v, m):
    return (v + m - 1) // m * m



def _gather_rows(table, gidx, w):
    r = gidx.shape[0]
    info = plsc.get_sparse_core_info()
    nw = info.num_cores * info.num_subcores
    per_w = r // nw
    ch = 256
    n_ch = per_w // ch
    mesh = plsc.VectorSubcoreMesh(core_axis_name="c", subcore_axis_name="s")

    @functools.partial(
        pl.kernel,
        out_type=jax.ShapeDtypeStruct((r, w), jnp.float32),
        mesh=mesh,
        compiler_params=pltpu.CompilerParams(use_tc_tiling_on_sc=False),
        scratch_types=[
            pltpu.VMEM((ch,), jnp.int32),
            pltpu.VMEM((ch, w), jnp.float32),
            pltpu.SemaphoreType.DMA,
        ],
    )
    def k(tab_hbm, idx_hbm, out_hbm, idx_v, rows_v, sem):
        wid = lax.axis_index("s") * info.num_cores + lax.axis_index("c")
        base = wid * per_w

        def body(ci, _):
            off = base + ci * ch
            pltpu.sync_copy(idx_hbm.at[pl.ds(off, ch)], idx_v)
            pltpu.async_copy(tab_hbm.at[idx_v], rows_v, sem).wait()
            pltpu.sync_copy(rows_v, out_hbm.at[pl.ds(off, ch)])
            return 0

        lax.fori_loop(0, n_ch, body, 0, unroll=False)

    return k(table, gidx)


def _sc_neighbor_gather(feature, input_xyz, neigh_idx, in_c):
    in_cp = _rup(in_c, 16)
    w = in_cp + 16
    feat_t = jnp.transpose(feature, (0, 2, 1))
    tab = jnp.concatenate([
        feat_t,
        jnp.zeros((NB, NPT, in_cp - in_c), jnp.float32),
        input_xyz,
        jnp.zeros((NB, NPT, 13), jnp.float32),
    ], axis=-1).reshape(NB * NPT, w)
    gidx = (neigh_idx.astype(jnp.int32)
            + (jnp.arange(NB, dtype=jnp.int32) * NPT)[:, None]).reshape(-1)
    g = _gather_rows(tab, gidx, w).reshape(NB, LKN, w)
    neigh_feat = g[:, :, :in_c]
    neigh_xyz = g[:, :, in_cp:in_cp + 3]
    return neigh_xyz, neigh_feat



def _lrelu(x):
    return jnp.where(x >= 0, x, 0.01 * x)


def _conv1d(x, w, b):
    return jnp.einsum('oc,bcl->bol', w, x) + b[None, :, None]


def _bnorm(x, g, b):
    m = jnp.mean(x, axis=(0, 2), keepdims=True)
    v = jnp.mean((x - m) ** 2, axis=(0, 2), keepdims=True)
    return (x - m) / jnp.sqrt(v + 1e-5) * g[None, :, None] + b[None, :, None]


def _get_knn_idx(x, k):
    b, n = x.shape[0], x.shape[1]
    x2 = jnp.reshape(x, (b, -1, n))
    inner = -2.0 * jnp.matmul(jnp.transpose(x2, (0, 2, 1)), x2)
    xx = jnp.sum(x2 ** 2, axis=1, keepdims=True)
    pd = -xx - inner - jnp.transpose(xx, (0, 2, 1))
    idx = jax.lax.top_k(pd, k)[1]
    return jnp.reshape(idx, (b, -1))


def _gac_block(p, in_c, out_c, k, feature, input_xyz, neigh_idx):
    b = feature.shape[0]
    n = input_xyz.shape[1]
    neigh_xyz, neigh_feat = _sc_neighbor_gather(feature, input_xyz,
                                                neigh_idx, in_c)
    feat = jnp.transpose(feature, (0, 2, 1))
    tile_feat = jnp.transpose(jnp.tile(feat[:, :, None, :], (1, 1, k, 1)),
                              (0, 3, 2, 1))
    tile_xyz = jnp.transpose(jnp.tile(input_xyz[:, :, None, :], (1, 1, k, 1)),
                             (0, 3, 2, 1))
    neigh_xyz_v = jnp.reshape(neigh_xyz, (b, 3, k, n))
    lsam_ip = jnp.reshape(
        jnp.concatenate([tile_xyz, neigh_xyz_v, neigh_xyz_v - tile_xyz],
                        axis=1), (b, 9, k * n))
    dists = jnp.reshape(
        jnp.sqrt(jnp.sum((neigh_xyz_v - tile_xyz + 1e-6) ** 2, axis=1)),
        (b, 1, k * n))
    r = _lrelu(_bnorm(_conv1d(lsam_ip, p['w1'], p['b1']), p['g1'], p['be1']))
    neigh_feat_v = jnp.reshape(neigh_feat, (b, in_c, n * k))
    tile_feat_r = jnp.reshape(tile_feat, (b, in_c, k * n))
    gac_ip = jnp.concatenate([r, tile_feat_r, neigh_feat_v], axis=1)
    f_cap = _lrelu(_bnorm(_conv1d(gac_ip, p['w2'], p['b2']), p['g2'], p['be2']))
    f_cap = jnp.reshape(f_cap, (b * k, out_c, n))
    attn_ip = jnp.concatenate([neigh_feat_v - tile_feat_r, neigh_feat_v,
                               dists], axis=1)
    attn = _lrelu(_bnorm(_conv1d(attn_ip, p['w3'], p['b3']), p['g3'], p['be3']))
    attn = jax.nn.softmax(jnp.reshape(attn, (b * k, out_c, n)), axis=1)
    res = jnp.reshape(attn * f_cap, (b, k, out_c, n))
    return jnp.sum(res, axis=1)


def kernel(x, params):
    b, d, n = x.shape
    og = x[:, 9:12, :]
    input_xyz = jnp.reshape(og, (b, n, 3))
    idx = _get_knn_idx(jnp.transpose(x, (0, 2, 1)), KNN)
    res = _gac_block(params['blocks'][0], CHS[0], CHS[1], KNN, x,
                     input_xyz, idx)
    idx = _get_knn_idx(jnp.transpose(res, (0, 2, 1)), KNN)
    res2 = _gac_block(params['blocks'][1], CHS[1], CHS[2], KNN, res,
                      input_xyz, idx)
    idx = _get_knn_idx(jnp.transpose(res2, (0, 2, 1)), KNN)
    res3 = _gac_block(params['blocks'][2], CHS[2], CHS[3], KNN, res2,
                      input_xyz, idx)
    cat = jnp.concatenate([res, res2, res3], axis=1)
    return _lrelu(_bnorm(_conv1d(cat, params['w4'], params['b4']),
                         params['g4'], params['be4']))

# --- scband reference (transcript-rebuilt; emitter-appended) ---
"""Pipeline reference for scband-gac-encoder2-80917183857432 (READ-ONLY COPY).

The authoritative reference and input builder live on the scoring server;
editing this copy changes nothing except your own understanding.
"""

import jax, jax.numpy as jnp
import numpy as np

K = 24
CH = [12, 64, 128, 256]
B, N, D = 2, 2048, 12

def lrelu(x):
    return jnp.where(x >= 0, x, 0.01 * x)

def conv1d(x, w, b):
    return jnp.einsum('oc,bcl->bol', w, x) + b[None, :, None]

def bnorm(x, g, b):
    m = jnp.mean(x, axis=(0, 2), keepdims=True)
    v = jnp.mean((x - m) ** 2, axis=(0, 2), keepdims=True)
    return (x - m) / jnp.sqrt(v + 1e-5) * g[None, :, None] + b[None, :, None]

def get_knn_idx(x, k):
    # x: [B, n, d] logically; torch does contiguous().view(B, -1, n) -> bug-faithful reshape
    b, n = x.shape[0], x.shape[1]
    x2 = jnp.reshape(x, (b, -1, n))
    inner = -2.0 * jnp.matmul(jnp.transpose(x2, (0, 2, 1)), x2)
    xx = jnp.sum(x2 ** 2, axis=1, keepdims=True)
    pd = -xx - inner - jnp.transpose(xx, (0, 2, 1))
    idx = jax.lax.top_k(pd, k)[1]
    return jnp.reshape(idx, (b, -1))

def gac_block(p, in_c, out_c, k, feature, input_xyz, neigh_idx):
    # feature: [B, in_c, n]; input_xyz: [B, n, 3]; neigh_idx: [B, n*k]
    b = feature.shape[0]
    n = input_xyz.shape[1]
    idx = neigh_idx[:, :, None]
    neigh_xyz = jnp.take_along_axis(input_xyz, jnp.broadcast_to(idx, (b, idx.shape[1], 3)), axis=1)
    feat = jnp.transpose(feature, (0, 2, 1))
    neigh_feat = jnp.take_along_axis(feat, jnp.broadcast_to(idx, (b, idx.shape[1], in_c)), axis=1)
    tile_feat = jnp.transpose(jnp.tile(feat[:, :, None, :], (1, 1, k, 1)), (0, 3, 2, 1))
    tile_xyz = jnp.transpose(jnp.tile(input_xyz[:, :, None, :], (1, 1, k, 1)), (0, 3, 2, 1))
    neigh_xyz_v = jnp.reshape(neigh_xyz, (b, 3, k, n))  # bug-faithful torch .view
    lsam_ip = jnp.reshape(jnp.concatenate([tile_xyz, neigh_xyz_v, neigh_xyz_v - tile_xyz], axis=1), (b, 9, k * n))
    # PairwiseDistance reduced over coordinate dim (dim=1), eps=1e-6 added as in torch impl
    dists = jnp.reshape(jnp.sqrt(jnp.sum((neigh_xyz_v - tile_xyz + 1e-6) ** 2, axis=1)), (b, 1, k * n))
    r = lrelu(bnorm(conv1d(lsam_ip, p['w1'], p['b1']), p['g1'], p['be1']))
    neigh_feat_v = jnp.reshape(neigh_feat, (b, in_c, n * k))  # bug-faithful .view(a,c,b)
    tile_feat_r = jnp.reshape(tile_feat, (b, in_c, k * n))
    gac_ip = jnp.concatenate([r, tile_feat_r, neigh_feat_v], axis=1)
    f_cap = lrelu(bnorm(conv1d(gac_ip, p['w2'], p['b2']), p['g2'], p['be2']))
    f_cap = jnp.reshape(f_cap, (b * k, out_c, n))
    attn_ip = jnp.concatenate([neigh_feat_v - tile_feat_r, neigh_feat_v, dists], axis=1)
    attn = lrelu(bnorm(conv1d(attn_ip, p['w3'], p['b3']), p['g3'], p['be3']))
    attn = jax.nn.softmax(jnp.reshape(attn, (b * k, out_c, n)), axis=1)
    res = jnp.reshape(attn * f_cap, (b, k, out_c, n))
    return jnp.sum(res, axis=1)

def forward(x, params):
    b, d, n = x.shape
    og = x[:, 9:12, :]
    input_xyz = jnp.reshape(og, (b, n, 3))  # bug-faithful torch .reshape of [B,3,N]
    idx = get_knn_idx(jnp.transpose(x, (0, 2, 1)), K)
    res = gac_block(params['blocks'][0], CH[0], CH[1], K, x, input_xyz, idx)
    idx = get_knn_idx(jnp.transpose(res, (0, 2, 1)), K)
    res2 = gac_block(params['blocks'][1], CH[1], CH[2], K, res, input_xyz, idx)
    idx = get_knn_idx(jnp.transpose(res2, (0, 2, 1)), K)
    res3 = gac_block(params['blocks'][2], CH[2], CH[3], K, res2, input_xyz, idx)
    cat = jnp.concatenate([res, res2, res3], axis=1)
    return lrelu(bnorm(conv1d(cat, params['w4'], params['b4']), params['g4'], params['be4']))

def setup_inputs(seed: int = 0) -> dict:
    key = jax.random.key(seed)
    ks = jax.random.split(key, 16)
    blocks = []
    i = 0
    for bi in range(3):
        in_c, out_c = CH[bi], CH[bi + 1]
        c2 = 2 * in_c + 16
        c3 = 2 * in_c + 1
        p = {
            'w1': jax.random.normal(ks[i], (16, 9), dtype=jnp.float32) / np.sqrt(9.0),
            'b1': jnp.zeros((16,), jnp.float32), 'g1': jnp.ones((16,), jnp.float32), 'be1': jnp.zeros((16,), jnp.float32),
            'w2': jax.random.normal(ks[i + 1], (out_c, c2), dtype=jnp.float32) / np.sqrt(float(c2)),
            'b2': jnp.zeros((out_c,), jnp.float32), 'g2': jnp.ones((out_c,), jnp.float32), 'be2': jnp.zeros((out_c,), jnp.float32),
            'w3': jax.random.normal(ks[i + 2], (out_c, c3), dtype=jnp.float32) / np.sqrt(float(c3)),
            'b3': jnp.zeros((out_c,), jnp.float32), 'g3': jnp.ones((out_c,), jnp.float32), 'be3': jnp.zeros((out_c,), jnp.float32),
        }
        i += 3
        blocks.append(p)
    params = {
        'blocks': blocks,
        'w4': jax.random.normal(ks[i], (256, CH[1] + CH[2] + CH[3]), dtype=jnp.float32) / np.sqrt(float(CH[1] + CH[2] + CH[3])),
        'b4': jnp.zeros((256,), jnp.float32), 'g4': jnp.ones((256,), jnp.float32), 'be4': jnp.zeros((256,), jnp.float32),
    }
    x = jax.random.normal(jax.random.fold_in(key, 7), (B, D, N), dtype=jnp.float32)
    return {'x': x, 'params': params}

def reference(x, params):
    return forward(x, params)

if __name__ == "__main__":
    import jax
    _d = setup_inputs()
    print(jax.jit(kernel)(*tuple(_d.values())))

</pallas_src>

<mosaic_0001>
#map = affine_map<(d0, d1) -> (0, 0)>
#map1 = affine_map<(d0, d1) -> (0)>
module attributes {stable_mosaic.version = 14 : i64} {
  func.func @k(%arg0: i32, %arg1: i32, %arg2: memref<4096x80xf32, #tpu.memory_space<hbm>>, %arg3: memref<98304xi32, #tpu.memory_space<hbm>>, %arg4: memref<98304x80xf32, #tpu.memory_space<hbm>>, %arg5: memref<256xi32, #tpu.memory_space<vmem>>, %arg6: memref<256x80xf32, #tpu.memory_space<vmem>>, %arg7: memref<!tpu.dma_semaphore, #tpu.memory_space<semaphore_mem>>) attributes {dimension_semantics = [#tpu.dimension_semantics<core_parallel>, #tpu.dimension_semantics<subcore_parallel>], iteration_bounds = array<i64: 2, 16>, scalar_prefetch = 0 : i64, scratch_operands = 3 : i64, tpu.core_type = #tpu.core_type<sc_vector_subcore>, window_params = [{transform_indices = #map}, {transform_indices = #map1}, {transform_indices = #map}]} {
    %mul3A = arith.constant 2 : i32
    %mul3A_0 = arith.muli %arg1, %mul3A : i32
    %add3A = arith.addi %mul3A_0, %arg0 : i32
    %mul3A_1 = arith.constant 3072 : i32
    %mul3A_2 = arith.muli %add3A, %mul3A_1 : i32
    %scan3A = arith.constant 0 : i32
    %scan3A_3 = arith.constant 0 : i32
    %scan3A_4 = arith.constant 12 : i32
    %scan3A_5 = arith.addi %scan3A_3, %scan3A_4 : i32
    %scan3A_6 = arith.constant 1 : i32
    %scan3A_7 = scf.for %scan3A_9 = %scan3A_3 to %scan3A_5 step %scan3A_6 iter_args(%scan3A_10 = %scan3A) -> (i32)  : i32 {
      %mul3A_11 = arith.constant 256 : i32
      %mul3A_12 = arith.muli %scan3A_9, %mul3A_11 : i32
      %add3A_13 = arith.addi %mul3A_2, %mul3A_12 : i32
      "tpu.region"() ({
        %run_scoped3A = tpu.sem_alloc : memref<!tpu.dma_semaphore, #tpu.memory_space<semaphore_mem>>
        %dma_start3A_19 = tpu.memref_slice %arg3[%add3A_13] : memref<98304xi32, #tpu.memory_space<hbm>> -> memref<256xi32, #tpu.memory_space<hbm>>
        %dma_start3A_20 = tpu.memref_slice %arg3[%add3A_13] : memref<98304xi32, #tpu.memory_space<hbm>> -> memref<256xi32, #tpu.memory_space<hbm>>
        tpu.enqueue_dma source(%dma_start3A_20 : memref<256xi32, #tpu.memory_space<hbm>>) target(%arg5 : memref<256xi32, #tpu.memory_space<vmem>>) target_semaphore(%run_scoped3A : memref<!tpu.dma_semaphore, #tpu.memory_space<semaphore_mem>>)
        %dma_wait3A_21 = tpu.memref_slice %arg3[%add3A_13] : memref<98304xi32, #tpu.memory_space<hbm>> -> memref<256xi32, #tpu.memory_space<hbm>>
        %dma_wait3A_22 = tpu.memref_slice %arg3[%add3A_13] : memref<98304xi32, #tpu.memory_space<hbm>> -> memref<256xi32, #tpu.memory_space<hbm>>
        tpu.wait_dma2 semaphore(%run_scoped3A : memref<!tpu.dma_semaphore, #tpu.memory_space<semaphore_mem>>) src(%dma_wait3A_22 : memref<256xi32, #tpu.memory_space<hbm>>) dst(%arg5 : memref<256xi32, #tpu.memory_space<vmem>>)
        tpu.yield
      }) : () -> ()
      %dma_start3A = arith.constant 0 : i32
      %dma_start3A_14 = arith.constant 0 : i32
      %dma_start3A_15 = tpu.memref_slice %arg2[%dma_start3A, %dma_start3A_14] : memref<4096x80xf32, #tpu.memory_space<hbm>> -> memref<4096x80xf32, #tpu.memory_space<hbm>>
      tpu.enqueue_indirect_dma source(%dma_start3A_15 : memref<4096x80xf32, #tpu.memory_space<hbm>>) target(%arg6 : memref<256x80xf32, #tpu.memory_space<vmem>>) offsets(%arg5 : memref<256xi32, #tpu.memory_space<vmem>>) semaphore(%arg7 : memref<!tpu.dma_semaphore, #tpu.memory_space<semaphore_mem>>)
      %dma_wait3A = arith.constant 0 : i32
      %dma_wait3A_16 = arith.constant 0 : i32
      %dma_wait3A_17 = tpu.memref_slice %arg2[%dma_wait3A, %dma_wait3A_16] : memref<4096x80xf32, #tpu.memory_space<hbm>> -> memref<4096x80xf32, #tpu.memory_space<hbm>>
      tpu.wait_indirect_dma semaphore(%arg7 : memref<!tpu.dma_semaphore, #tpu.memory_space<semaphore_mem>>) src(%dma_wait3A_17 : memref<4096x80xf32, #tpu.memory_space<hbm>>) dst(%arg6 : memref<256x80xf32, #tpu.memory_space<vmem>>)
      "tpu.region"() ({
        %run_scoped3A = tpu.sem_alloc : memref<!tpu.dma_semaphore, #tpu.memory_space<semaphore_mem>>
        %dma_start3A_19 = arith.constant 0 : i32
        %dma_start3A_20 = tpu.memref_slice %arg4[%add3A_13, %dma_start3A_19] : memref<98304x80xf32, #tpu.memory_space<hbm>> -> memref<256x80xf32, #tpu.memory_space<hbm>>
        %dma_start3A_21 = arith.constant 0 : i32
        %dma_start3A_22 = tpu.memref_slice %arg4[%add3A_13, %dma_start3A_21] : memref<98304x80xf32, #tpu.memory_space<hbm>> -> memref<256x80xf32, #tpu.memory_space<hbm>>
        tpu.enqueue_dma source(%arg6 : memref<256x80xf32, #tpu.memory_space<vmem>>) target(%dma_start3A_22 : memref<256x80xf32, #tpu.memory_space<hbm>>) target_semaphore(%run_scoped3A : memref<!tpu.dma_semaphore, #tpu.memory_space<semaphore_mem>>)
        %dma_wait3A_23 = arith.constant 0 : i32
        %dma_wait3A_24 = tpu.memref_slice %arg4[%add3A_13, %dma_wait3A_23] : memref<98304x80xf32, #tpu.memory_space<hbm>> -> memref<256x80xf32, #tpu.memory_space<hbm>>
        %dma_wait3A_25 = arith.constant 0 : i32
        %dma_wait3A_26 = tpu.memref_slice %arg4[%add3A_13, %dma_wait3A_25] : memref<98304x80xf32, #tpu.memory_space<hbm>> -> memref<256x80xf32, #tpu.memory_space<hbm>>
        tpu.wait_dma2 semaphore(%run_scoped3A : memref<!tpu.dma_semaphore, #tpu.memory_space<semaphore_mem>>) src(%arg6 : memref<256x80xf32, #tpu.memory_space<vmem>>) dst(%dma_wait3A_26 : memref<256x80xf32, #tpu.memory_space<hbm>>)
        tpu.yield
      }) : () -> ()
      %scan3A_18 = arith.constant 0 : i32
      scf.yield %scan3A_18 : i32
    }
    %scan3A_8 = arith.constant 12 : i32
    return
  }
}

#map = affine_map<(d0, d1) -> (0, 0)>
#map1 = affine_map<(d0, d1) -> (0)>
module attributes {stable_mosaic.version = 14 : i64} {
  func.func @k(%arg0: i32, %arg1: i32, %arg2: memref<4096x32xf32, #tpu.memory_space<hbm>>, %arg3: memref<98304xi32, #tpu.memory_space<hbm>>, %arg4: memref<98304x32xf32, #tpu.memory_space<hbm>>, %arg5: memref<256xi32, #tpu.memory_space<vmem>>, %arg6: memref<256x32xf32, #tpu.memory_space<vmem>>, %arg7: memref<!tpu.dma_semaphore, #tpu.memory_space<semaphore_mem>>) attributes {dimension_semantics = [#tpu.dimension_semantics<core_parallel>, #tpu.dimension_semantics<subcore_parallel>], iteration_bounds = array<i64: 2, 16>, scalar_prefetch = 0 : i64, scratch_operands = 3 : i64, tpu.core_type = #tpu.core_type<sc_vector_subcore>, window_params = [{transform_indices = #map}, {transform_indices = #map1}, {transform_indices = #map}]} {
    %mul3A = arith.constant 2 : i32
    %mul3A_0 = arith.muli %arg1, %mul3A : i32
    %add3A = arith.addi %mul3A_0, %arg0 : i32
    %mul3A_1 = arith.constant 3072 : i32
    %mul3A_2 = arith.muli %add3A, %mul3A_1 : i32
    %scan3A = arith.constant 0 : i32
    %scan3A_3 = arith.constant 0 : i32
    %scan3A_4 = arith.constant 12 : i32
    %scan3A_5 = arith.addi %scan3A_3, %scan3A_4 : i32
    %scan3A_6 = arith.constant 1 : i32
    %scan3A_7 = scf.for %scan3A_9 = %scan3A_3 to %scan3A_5 step %scan3A_6 iter_args(%scan3A_10 = %scan3A) -> (i32)  : i32 {
      %mul3A_11 = arith.constant 256 : i32
      %mul3A_12 = arith.muli %scan3A_9, %mul3A_11 : i32
      %add3A_13 = arith.addi %mul3A_2, %mul3A_12 : i32
      "tpu.region"() ({
        %run_scoped3A = tpu.sem_alloc : memref<!tpu.dma_semaphore, #tpu.memory_space<semaphore_mem>>
        %dma_start3A_19 = tpu.memref_slice %arg3[%add3A_13] : memref<98304xi32, #tpu.memory_space<hbm>> -> memref<256xi32, #tpu.memory_space<hbm>>
        %dma_start3A_20 = tpu.memref_slice %arg3[%add3A_13] : memref<98304xi32, #tpu.memory_space<hbm>> -> memref<256xi32, #tpu.memory_space<hbm>>
        tpu.enqueue_dma source(%dma_start3A_20 : memref<256xi32, #tpu.memory_space<hbm>>) target(%arg5 : memref<256xi32, #tpu.memory_space<vmem>>) target_semaphore(%run_scoped3A : memref<!tpu.dma_semaphore, #tpu.memory_space<semaphore_mem>>)
        %dma_wait3A_21 = tpu.memref_slice %arg3[%add3A_13] : memref<98304xi32, #tpu.memory_space<hbm>> -> memref<256xi32, #tpu.memory_space<hbm>>
        %dma_wait3A_22 = tpu.memref_slice %arg3[%add3A_13] : memref<98304xi32, #tpu.memory_space<hbm>> -> memref<256xi32, #tpu.memory_space<hbm>>
        tpu.wait_dma2 semaphore(%run_scoped3A : memref<!tpu.dma_semaphore, #tpu.memory_space<semaphore_mem>>) src(%dma_wait3A_22 : memref<256xi32, #tpu.memory_space<hbm>>) dst(%arg5 : memref<256xi32, #tpu.memory_space<vmem>>)
        tpu.yield
      }) : () -> ()
      %dma_start3A = arith.constant 0 : i32
      %dma_start3A_14 = arith.constant 0 : i32
      %dma_start3A_15 = tpu.memref_slice %arg2[%dma_start3A, %dma_start3A_14] : memref<4096x32xf32, #tpu.memory_space<hbm>> -> memref<4096x32xf32, #tpu.memory_space<hbm>>
      tpu.enqueue_indirect_dma source(%dma_start3A_15 : memref<4096x32xf32, #tpu.memory_space<hbm>>) target(%arg6 : memref<256x32xf32, #tpu.memory_space<vmem>>) offsets(%arg5 : memref<256xi32, #tpu.memory_space<vmem>>) semaphore(%arg7 : memref<!tpu.dma_semaphore, #tpu.memory_space<semaphore_mem>>)
      %dma_wait3A = arith.constant 0 : i32
      %dma_wait3A_16 = arith.constant 0 : i32
      %dma_wait3A_17 = tpu.memref_slice %arg2[%dma_wait3A, %dma_wait3A_16] : memref<4096x32xf32, #tpu.memory_space<hbm>> -> memref<4096x32xf32, #tpu.memory_space<hbm>>
      tpu.wait_indirect_dma semaphore(%arg7 : memref<!tpu.dma_semaphore, #tpu.memory_space<semaphore_mem>>) src(%dma_wait3A_17 : memref<4096x32xf32, #tpu.memory_space<hbm>>) dst(%arg6 : memref<256x32xf32, #tpu.memory_space<vmem>>)
      "tpu.region"() ({
        %run_scoped3A = tpu.sem_alloc : memref<!tpu.dma_semaphore, #tpu.memory_space<semaphore_mem>>
        %dma_start3A_19 = arith.constant 0 : i32
        %dma_start3A_20 = tpu.memref_slice %arg4[%add3A_13, %dma_start3A_19] : memref<98304x32xf32, #tpu.memory_space<hbm>> -> memref<256x32xf32, #tpu.memory_space<hbm>>
        %dma_start3A_21 = arith.constant 0 : i32
        %dma_start3A_22 = tpu.memref_slice %arg4[%add3A_13, %dma_start3A_21] : memref<98304x32xf32, #tpu.memory_space<hbm>> -> memref<256x32xf32, #tpu.memory_space<hbm>>
        tpu.enqueue_dma source(%arg6 : memref<256x32xf32, #tpu.memory_space<vmem>>) target(%dma_start3A_22 : memref<256x32xf32, #tpu.memory_space<hbm>>) target_semaphore(%run_scoped3A : memref<!tpu.dma_semaphore, #tpu.memory_space<semaphore_mem>>)
        %dma_wait3A_23 = arith.constant 0 : i32
        %dma_wait3A_24 = tpu.memref_slice %arg4[%add3A_13, %dma_wait3A_23] : memref<98304x32xf32, #tpu.memory_space<hbm>> -> memref<256x32xf32, #tpu.memory_space<hbm>>
        %dma_wait3A_25 = arith.constant 0 : i32
        %dma_wait3A_26 = tpu.memref_slice %arg4[%add3A_13, %dma_wait3A_25] : memref<98304x32xf32, #tpu.memory_space<hbm>> -> memref<256x32xf32, #tpu.memory_space<hbm>>
        tpu.wait_dma2 semaphore(%run_scoped3A : memref<!tpu.dma_semaphore, #tpu.memory_space<semaphore_mem>>) src(%arg6 : memref<256x32xf32, #tpu.memory_space<vmem>>) dst(%dma_wait3A_26 : memref<256x32xf32, #tpu.memory_space<hbm>>)
        tpu.yield
      }) : () -> ()
      %scan3A_18 = arith.constant 0 : i32
      scf.yield %scan3A_18 : i32
    }
    %scan3A_8 = arith.constant 12 : i32
    return
  }
}

#map = affine_map<(d0, d1) -> (0, 0)>
#map1 = affine_map<(d0, d1) -> (0)>
module attributes {stable_mosaic.version = 14 : i64} {
  func.func @k(%arg0: i32, %arg1: i32, %arg2: memref<4096x144xf32, #tpu.memory_space<hbm>>, %arg3: memref<98304xi32, #tpu.memory_space<hbm>>, %arg4: memref<98304x144xf32, #tpu.memory_space<hbm>>, %arg5: memref<256xi32, #tpu.memory_space<vmem>>, %arg6: memref<256x144xf32, #tpu.memory_space<vmem>>, %arg7: memref<!tpu.dma_semaphore, #tpu.memory_space<semaphore_mem>>) attributes {dimension_semantics = [#tpu.dimension_semantics<core_parallel>, #tpu.dimension_semantics<subcore_parallel>], iteration_bounds = array<i64: 2, 16>, scalar_prefetch = 0 : i64, scratch_operands = 3 : i64, tpu.core_type = #tpu.core_type<sc_vector_subcore>, window_params = [{transform_indices = #map}, {transform_indices = #map1}, {transform_indices = #map}]} {
    %mul3A = arith.constant 2 : i32
    %mul3A_0 = arith.muli %arg1, %mul3A : i32
    %add3A = arith.addi %mul3A_0, %arg0 : i32
    %mul3A_1 = arith.constant 3072 : i32
    %mul3A_2 = arith.muli %add3A, %mul3A_1 : i32
    %scan3A = arith.constant 0 : i32
    %scan3A_3 = arith.constant 0 : i32
    %scan3A_4 = arith.constant 12 : i32
    %scan3A_5 = arith.addi %scan3A_3, %scan3A_4 : i32
    %scan3A_6 = arith.constant 1 : i32
    %scan3A_7 = scf.for %scan3A_9 = %scan3A_3 to %scan3A_5 step %scan3A_6 iter_args(%scan3A_10 = %scan3A) -> (i32)  : i32 {
      %mul3A_11 = arith.constant 256 : i32
      %mul3A_12 = arith.muli %scan3A_9, %mul3A_11 : i32
      %add3A_13 = arith.addi %mul3A_2, %mul3A_12 : i32
      "tpu.region"() ({
        %run_scoped3A = tpu.sem_alloc : memref<!tpu.dma_semaphore, #tpu.memory_space<semaphore_mem>>
        %dma_start3A_19 = tpu.memref_slice %arg3[%add3A_13] : memref<98304xi32, #tpu.memory_space<hbm>> -> memref<256xi32, #tpu.memory_space<hbm>>
        %dma_start3A_20 = tpu.memref_slice %arg3[%add3A_13] : memref<98304xi32, #tpu.memory_space<hbm>> -> memref<256xi32, #tpu.memory_space<hbm>>
        tpu.enqueue_dma source(%dma_start3A_20 : memref<256xi32, #tpu.memory_space<hbm>>) target(%arg5 : memref<256xi32, #tpu.memory_space<vmem>>) target_semaphore(%run_scoped3A : memref<!tpu.dma_semaphore, #tpu.memory_space<semaphore_mem>>)
        %dma_wait3A_21 = tpu.memref_slice %arg3[%add3A_13] : memref<98304xi32, #tpu.memory_space<hbm>> -> memref<256xi32, #tpu.memory_space<hbm>>
        %dma_wait3A_22 = tpu.memref_slice %arg3[%add3A_13] : memref<98304xi32, #tpu.memory_space<hbm>> -> memref<256xi32, #tpu.memory_space<hbm>>
        tpu.wait_dma2 semaphore(%run_scoped3A : memref<!tpu.dma_semaphore, #tpu.memory_space<semaphore_mem>>) src(%dma_wait3A_22 : memref<256xi32, #tpu.memory_space<hbm>>) dst(%arg5 : memref<256xi32, #tpu.memory_space<vmem>>)
        tpu.yield
      }) : () -> ()
      %dma_start3A = arith.constant 0 : i32
      %dma_start3A_14 = arith.constant 0 : i32
      %dma_start3A_15 = tpu.memref_slice %arg2[%dma_start3A, %dma_start3A_14] : memref<4096x144xf32, #tpu.memory_space<hbm>> -> memref<4096x144xf32, #tpu.memory_space<hbm>>
      tpu.enqueue_indirect_dma source(%dma_start3A_15 : memref<4096x144xf32, #tpu.memory_space<hbm>>) target(%arg6 : memref<256x144xf32, #tpu.memory_space<vmem>>) offsets(%arg5 : memref<256xi32, #tpu.memory_space<vmem>>) semaphore(%arg7 : memref<!tpu.dma_semaphore, #tpu.memory_space<semaphore_mem>>)
      %dma_wait3A = arith.constant 0 : i32
      %dma_wait3A_16 = arith.constant 0 : i32
      %dma_wait3A_17 = tpu.memref_slice %arg2[%dma_wait3A, %dma_wait3A_16] : memref<4096x144xf32, #tpu.memory_space<hbm>> -> memref<4096x144xf32, #tpu.memory_space<hbm>>
      tpu.wait_indirect_dma semaphore(%arg7 : memref<!tpu.dma_semaphore, #tpu.memory_space<semaphore_mem>>) src(%dma_wait3A_17 : memref<4096x144xf32, #tpu.memory_space<hbm>>) dst(%arg6 : memref<256x144xf32, #tpu.memory_space<vmem>>)
      "tpu.region"() ({
        %run_scoped3A = tpu.sem_alloc : memref<!tpu.dma_semaphore, #tpu.memory_space<semaphore_mem>>
        %dma_start3A_19 = arith.constant 0 : i32
        %dma_start3A_20 = tpu.memref_slice %arg4[%add3A_13, %dma_start3A_19] : memref<98304x144xf32, #tpu.memory_space<hbm>> -> memref<256x144xf32, #tpu.memory_space<hbm>>
        %dma_start3A_21 = arith.constant 0 : i32
        %dma_start3A_22 = tpu.memref_slice %arg4[%add3A_13, %dma_start3A_21] : memref<98304x144xf32, #tpu.memory_space<hbm>> -> memref<256x144xf32, #tpu.memory_space<hbm>>
        tpu.enqueue_dma source(%arg6 : memref<256x144xf32, #tpu.memory_space<vmem>>) target(%dma_start3A_22 : memref<256x144xf32, #tpu.memory_space<hbm>>) target_semaphore(%run_scoped3A : memref<!tpu.dma_semaphore, #tpu.memory_space<semaphore_mem>>)
        %dma_wait3A_23 = arith.constant 0 : i32
        %dma_wait3A_24 = tpu.memref_slice %arg4[%add3A_13, %dma_wait3A_23] : memref<98304x144xf32, #tpu.memory_space<hbm>> -> memref<256x144xf32, #tpu.memory_space<hbm>>
        %dma_wait3A_25 = arith.constant 0 : i32
        %dma_wait3A_26 = tpu.memref_slice %arg4[%add3A_13, %dma_wait3A_25] : memref<98304x144xf32, #tpu.memory_space<hbm>> -> memref<256x144xf32, #tpu.memory_space<hbm>>
        tpu.wait_dma2 semaphore(%run_scoped3A : memref<!tpu.dma_semaphore, #tpu.memory_space<semaphore_mem>>) src(%arg6 : memref<256x144xf32, #tpu.memory_space<vmem>>) dst(%dma_wait3A_26 : memref<256x144xf32, #tpu.memory_space<hbm>>)
        tpu.yield
      }) : () -> ()
      %scan3A_18 = arith.constant 0 : i32
      scf.yield %scan3A_18 : i32
    }
    %scan3A_8 = arith.constant 12 : i32
    return
  }
}

</mosaic_0001>

<sc_bundles>
// kernel: kernel.11.cloned.1.call-start
scs
__scs_entry_jumppad:
0x0: {  	(pc) =	sbr.rel $0x88, $3  }
0x1: {  	(tag) =	ssettag $0x0;
	lr =	simm.s32 $0x1  }
0x2: {  	[smem:$0x3F78] =	sst lr;
	_ =	strace $0xD0000000  }
0x3: {  	_ = 	snop  }
0x4: {  	_ = 	snop  }
0x5: {  	_ = 	snop  }
0x6: {  	_ = 	snop  }
0x7: {  	_ = 	snop  }
__scs_overlays_trampoline_lowered:
0x8: {  	[smem:$0x3F87] =	sst s0  }
0x9: {  	[smem:$0x3F88] =	sst s1  }
0xa: {  	[smem:$0x3F89] =	sst s2  }
0xb: {  	[smem:$0x3F8A] =	sst s3  }
0xc: {  	[smem:$0x3F8B] =	sst s4  }
0xd: {  	[smem:$0x3F8C] =	sst s5  }
0xe: {  	[smem:$0x3F8D] =	sst s6  }
0xf: {  	[smem:$0x3F8E] =	sst s7  }
0x10: {  	[smem:$0x3F8F] =	sst s8  }
0x11: {  	[smem:$0x3F90] =	sst s9;
	s0 =	simm.s32 @!p0 $0x0  }
0x12: {  	s1 =	sld [smem:$0x3F76];
	s0 =	simm.s32 @p0 $0x1  }
0x13: {  	[smem:$0x3F91] =	sst s0;
	s0 =	simm.s32 @!p1 $0x0  }
0x14: {  	s2 =	sld [smem:$0x3F75];
	s0 =	simm.s32 @p1 $0x1  }
0x15: {  	[smem:$0x3F92] =	sst s0;
	s0 =	simm.s32 @!p2 $0x0  }
0x16: {  	s3 =	sld [smem:$0x3FDB];
	s0 =	simm.s32 @p2 $0x1  }
0x17: {  	s4 =	simm.s32 $0x1BF5;
	[smem:$0x3F94] =	sst s0  }
0x18: {  	s0 =	sld [smem:$0x3F77];
	_ =	swait.ge [sflag:s4], $0x0  }
0x19: {  	s7 =	sld [smem:$0x3F78]  }
0x1a: {  	s8 =	sadd.s32 $0xFFFFE003, lr  }
0x1b: {  	s9 =	sadd.s32 $0xFFFFFEF7, lr;
	s5 =	simm.s32 $0xFFFFFFFF;
	p2 =	slt.u32 s8, $0xFFFFF086  }
0x1c: {  	p1 =	slt.u32 s9, $0xF7A;
	s5 =	simm.s32 @!p2 $0x0  }
0x1d: {  	s5 =	simm.s32 @p1 $0x1;
	p0 =	seq.s32 s7, s2  }
0x1e: {  	s7 =	smul.u32 @!p0 $0xF7A, s2;
	p2 =	seq.s32 @!p0 s5, $0x0  }
0x1f: {  	s9 =	smul.u32 $0xF7A, s1;
	s8 =	simm.s32 @!p0 $0x1BF5;
	p2 =	por !p2, p0  }
0x20: {  	[sflag:s8] =	ssyncset.s32 @!p0 $0xFFFFF086;
	s6 =	sadd.s32 @!p0 s3, s7;
	s7 =	simm.s32 @!p0 $0x108  }
0x21: {  	s3 =	sadd.s32 s3, s9;
	s6 =	sadd.s32 @!p0 $0x88, s6;
	s7 =	simm.s32 @p2 $0x1082  }
0x22: {  	[simem:s7], [sflag:s8] =	dma.local @!p0 [hbm:s6], $0xF7A  }
0x23: {  	s9 =	sor.u32 $0xD0000000, s2;
	s6 =	simm.s32 $0x108;
	_ =	swait.ge @!p0 [sflag:s8], $0x0  }
0x24: {  	s3 =	sadd.s32 $0x88, s3;
	s6 =	simm.s32 @!p1 $0x1082;
	[sflag:s4] =	ssyncset.s32 $0xFFFFF086  }
0x25: {  	[simem:s6], [sflag:s4] =	dma.local [hbm:s3], $0xF7A  }
0x26: {  	[smem:$0x3F78] =	sst s1;
	(tag) =	ssettag s2;
	_ =	strace s9  }
0x27: {  	s1 =	sld [smem:$0x3F88]  }
0x28: {  	s2 =	sld [smem:$0x3F89]  }
0x29: {  	s4 =	sld [smem:$0x3F8B]  }
0x2a: {  	p0 =	seq.s32 s5, $0x0;
	s5 =	sld [smem:$0x3F8C]  }
0x2b: {  	s6 =	sld [smem:$0x3F8D]  }
0x2c: {  	s7 =	sld [smem:$0x3F8E]  }
0x2d: {  	s3 =	simm.s32 $0x108;
	s8 =	sld [smem:$0x3F8F]  }
0x2e: {  	s3 =	simm.s32 @!p0 $0x1082;
	s9 =	sld [smem:$0x3F90]  }
0x2f: {  	lr =	sadd.s32 s0, s3;
	s0 =	sld [smem:$0x3F87]  }
0x30: {  	s3 =	sld [smem:$0x3F8A]  }
0x31: {  	[smem:$0x3F93] =	sst s10  }
0x32: {  	s10 =	sld [smem:$0x3F91];
	_ =	sdelay $0x3  }
0x33: {  	p0 =	seq.s32 s10, $0x1;
	s10 =	sld [smem:$0x3F93];
	_ =	sdelay $0x3  }
0x34: {  	[smem:$0x3F93] =	sst s10  }
0x35: {  	s10 =	sld [smem:$0x3F92];
	_ =	sdelay $0x3  }
0x36: {  	p1 =	seq.s32 s10, $0x1;
	s10 =	sld [smem:$0x3F93];
	_ =	sdelay $0x3  }
0x37: {  	[smem:$0x3F93] =	sst s10  }
0x38: {  	s10 =	sld [smem:$0x3F94]  }
0x39: {  	_ = 	snop;
	(pc) =	sbr.ind lr, $3  }
0x3a: {  	_ = 	snop  }
0x3b: {  	_ = 	snop  }
0x3c: {  	p2 =	seq.s32 s10, $0x1;
	s10 =	sld [smem:$0x3F93]  }
0x3d: {  	_ =	shalt  }
0x3e: {  	_ =	shalt  }
0x3f: {  	_ =	shalt  }
0x40: {  	_ =	shalt  }
0x41: {  	_ =	shalt  }
0x42: {  	_ =	shalt  }
0x43: {  	_ =	shalt  }
0x44: {  	_ =	shalt  }
0x45: {  	_ =	shalt  }
0x46: {  	_ =	shalt  }
0x47: {  	_ =	shalt  }
0x48: {  	_ =	shalt  }
0x49: {  	_ =	shalt  }
0x4a: {  	_ =	shalt  }
0x4b: {  	_ =	shalt  }
0x4c: {  	_ =	shalt  }
0x4d: {  	_ =	shalt  }
0x4e: {  	_ =	shalt  }
0x4f: {  	_ =	shalt  }
0x50: {  	_ =	shalt  }
0x51: {  	_ =	shalt  }
0x52: {  	_ =	shalt  }
0x53: {  	_ =	shalt  }
0x54: {  	_ =	shalt  }
0x55: {  	_ =	shalt  }
0x56: {  	_ =	shalt  }
0x57: {  	_ =	shalt  }
0x58: {  	_ =	shalt  }
0x59: {  	_ =	shalt  }
0x5a: {  	_ =	shalt  }
0x5b: {  	_ =	shalt  }
0x5c: {  	_ =	shalt  }
0x5d: {  	_ =	shalt  }
0x5e: {  	_ =	shalt  }
0x5f: {  	_ =	shalt  }
0x60: {  	_ =	shalt  }
0x61: {  	_ =	shalt  }
0x62: {  	_ =	shalt  }
0x63: {  	_ =	shalt  }
0x64: {  	_ =	shalt  }
0x65: {  	_ =	shalt  }
0x66: {  	_ =	shalt  }
0x67: {  	_ =	shalt  }
0x68: {  	_ =	shalt  }
0x69: {  	_ =	shalt  }
0x6a: {  	_ =	shalt  }
0x6b: {  	_ =	shalt  }
0x6c: {  	_ =	shalt  }
0x6d: {  	_ =	shalt  }
0x6e: {  	_ =	shalt  }
0x6f: {  	_ =	shalt  }
0x70: {  	_ =	shalt  }
0x71: {  	_ =	shalt  }
0x72: {  	_ =	shalt  }
0x73: {  	_ =	shalt  }
0x74: {  	_ =	shalt  }
0x75: {  	_ =	shalt  }
0x76: {  	_ =	shalt  }
0x77: {  	_ =	shalt  }
0x78: {  	_ =	shalt  }
0x79: {  	_ =	shalt  }
0x7a: {  	_ =	shalt  }
0x7b: {  	_ =	shalt  }
0x7c: {  	_ =	shalt  }
0x7d: {  	_ =	shalt  }
0x7e: {  	_ =	shalt  }
0x7f: {  	_ =	shalt  }
0x80: {  	_ =	shalt  }
0x81: {  	_ =	shalt  }
0x82: {  	_ =	shalt  }
0x83: {  	_ =	shalt  }
0x84: {  	_ =	shalt  }
0x85: {  	_ =	shalt  }
0x86: {  	_ =	shalt  }
0x87: {  	_ =	shalt  }
.Lfunc_end0:
.L_simem_size_0:
called_computation.9_lowered:
.L_overlay_start_0:
0x88: {  	s2 =	sld [smem:$0x3FD9]  }
0x89: {  	s3 =	sld [smem:$0x3FFE];
	_ =	sdelay $0x1  }
0x8a: {  	s1 =	srdreg.scid  }
0x8b: {  	s0 =	sand.u32 $0x1, s1  }
0x8c: {  	s17 =	sshll.u32 s0, $0xA;
	s2 =	sadd.s32 s3, s2  }
0x8d: {  	s2 =	sadd.s32 s2, s17  }
0x8e: {  	[smem:$0x3F9F] =	sst s2  }
0x8f: {  	_ = 	snop  }
0x90: {  	s2 =	sld [smem:$0x3FD0];
	(tm) =	ssettm $0x1  }
0x91: {  	s18 =	sld [smem:$0x3FFB];
	_ =	sdelay $0x3  }
0x92: {  	_ =	strace s18  }
0x93: {  	s3 =	sld [smem:$0x3FFC];
	_ =	sdelay $0x3  }
0x94: {  	_ =	strace s3  }
0x95: {  	s3 =	sld [smem:$0x3FFD];
	_ =	sdelay $0x3  }
0x96: {  	_ =	strace s3  }
0x97: {  	_ =	strace $0x8FFFFFFF  }
0x98: {  	s19 =	sld [smem:$0x3FDB];
	_ =	sdelay $0x1  }
0x99: {  	s4 =	simm.s32 $_scs_section_size  }
0x9a: {  	s5 =	simm.s32 $_size__tile_overlayer_lowered;
	s6 =	simm.s32 $_tile_overlayer_lowered  }
0x9b: {  	s22 =	simm.s32 $0x1BFF;
	s21 =	sshll.u32 s6, $0x1;
	s3 =	sadd.s32 s4, s19  }
0x9c: {  	s7 =	simm.s32 $0x0;
	s20 =	sshll.u32 s5, $0x1;
	s5 =	sadd.s32 s21, s3  }
0x9d: {  	[timem:s7], [sflag:s22] =	dma.local [hbm:s5], s20  }
0x9e: {  	_ =	swait.ge [sflag:s22], s20  }
0x9f: {  	s4 =	ssub.s32 $0x0, s20;
	[sflag:s22] =	ssyncset.done $0x0  }
0xa0: {  	[sflag:s22] =	ssyncadd.s32 s4;
	_ =	sdelay $0x1  }
0xa1: {  	s23 =	simm.s32 $0x1B8B  }
0xa2: {  	_ =	swait.ge [sflag:s23], $0x1  }
0xa3: {  	[sflag:s23] =	ssyncset.done $0x0  }
0xa4: {  	s25 =	simm.s32 $0x1B8E;
	s24 =	sld [smem:$0x3FFE];
	[sflag:s23] =	ssyncadd.s32 $0xFFFFFFFF  }
0xa5: {  	s26 =	simm.s32 $execute0_lowered;
	[smem:$0x3FD2] =	sst s25  }
0xa6: {  	s5 =	sshll.u32 s26, $0x1;
	_ =	strace $0x8000005B;
	[dreg:$0x1] =	wrdreg $0xFFFFFFFF  }
0xa7: {  	s28 =	simm.s32 $_size_execute0_lowered;
	s3 =	sadd.s32 s3, s5;
	[dreg:$0x0] =	wrdreg $0x0  }
0xa8: {  	s5 =	sshll.u32 s28, $0x1;
	[dreg:$0x2] =	wrdreg s3  }
0xa9: {  	[dreg:$0x3] =	wrdreg s5  }
0xaa: {  	[dreg:$0x4] =	wrdreg $0xC0  }
0xab: {  	_ =	task [dreg:s7], $0x5FFFF  }
0xac: {  	[dreg:$0x1] =	wrdreg $0xFFFFFFFF  }
0xad: {  	[dreg:$0x0] =	wrdreg $0x60  }
0xae: {  	[dreg:$0x2] =	wrdreg s2  }
0xaf: {  	[dreg:$0x3] =	wrdreg s24  }
0xb0: {  	[dreg:$0x4] =	wrdreg $0x9  }
0xb1: {  	_ =	task.clear_ibuf [dreg:s7], $0x5FFFF;
	_ =	strace $0x9000005B  }
0xb2: {  	s29 =	simm.s32 $0x9;
	_ =	strace $0x8000005D  }
0xb3: {  	_ =	swait.ge [sflag:s29], $0x1  }
0xb4: {  	[sflag:s29] =	ssyncadd.s32 $0xFFFFFFFF  }
0xb5: {  	_ =	strace $0x9000005D  }
0xb6: {  	_ =	sfence  }
0xb7: {  	s30 =	sld [smem:$0x0];
	_ =	sdelay $0x2  }
0xb8: {  	s31 =	sshll.u32 s1, $0xD;
	s1 =	sshrl.u32 s1, $0x2  }
0xb9: {  	s3 =	sand.u32 $0x4000, s31;
	s1 =	sadd.s32 s1, s30  }
0xba: {  	s0 =	sor.u32 s3, s0;
	s1 =	sshll.u32 s1, $0x11  }
0xbb: {  	s0 =	sor.u32 s1, s0  }
0xbc: {  	s0 =	sadd.s32 $0x8F2B, s0  }
0xbd: {  	[sflag:s0] =	ssyncadd.remote.s32 $0x1  }
0xbe: {  	_ =	sfence.sel $0xFFFF  }
0xbf: {  	[dreg:$0x0] =	wrdreg $0xFFFFFFFF;
	(pc) =	sbr.abs _section_cstart, $3  }
0xc0: {  	[dreg:$0x1] =	wrdreg $0xFFFFFFFF  }
0xc1: {  	_ =	task.clear_ibuf [dreg:s7], $0x2FFFF;
	_ =	strace $0x9FFFFFFF  }
0xc2: {  	(tm) =	ssettm $0x7FFFFFFF  }
0xc3: {  	_ =	shalt  }
tec
execute0_lowered:
.L_overlay_start_1:
0x0: {  	(tag) =	ssettag $0x1  }
0x1: {  	s2 =	rddreg [dreg:$0x0]  }
0x2: {  	s4 =	rddreg [dreg:$0x1]  }
0x3: {  	s0 =	rddreg [dreg:$0x2];
	s1 =	stileid.u32  }
0x4: {  	s5 =	srdreg.scid;
	s3 =	simm.s32 $0x0;
	s6 =	smul.u32 $0x1800, s1  }
0x5: {  	s10 =	simm.s32 $0x0;
	s5 =	sand.u32 $0x1, s5;
	s8 =	smul.u32 $0x1B000, s1  }
0x6: {  	[smem:$0x7FF] =	sst s3;
	s7 =	smul.u32 $0xC00, s5;
	s9 =	ssub.s32 $0x2, s5  }
0x7: {  	_ =	strace $0x8000005C;
	s5 =	smul.u32 $0xD800, s5;
	s31 =	sshrl.u32 s9, $0x1  }
0x8: {  	s8 =	sadd.s32 s8, s4;
	s6 =	sadd.s32 s7, s6;
	s7 =	ssub.s32 s9, s31  }
0x9: {  	s5 =	sadd.s32 s5, s8;
	s8 =	simm.s32 $0x100;
	s6 =	sshrl.u32 s6, $0x3  }
0xa: {  	s9 =	simm.s32 $0x1;
	s5 =	sadd.s32 $0x169800, s5;
	s6 =	sadd.s32 s6, s4  }
0xb: {  	s4 =	smax.u32 s7, $0x1;
	s7 =	simm.s32 $0x2;
	s6 =	sadd.s32 $0x118000, s6  }
.LBB2_1:
0xc: {  	s11 =	sadd.s32 $0x0, s6  }
0xd: {  	[tilespmem:s3], [sflag:$0x2] =	stream.linear.gather [hbm4b:s11+s3], $0x100, $0x38;
	[tilespmem:$0x9100] =	vst v63  }
0xe: {  	_ =	swait.ge [sflag:s7], $0x100  }
0xf: {  	[sflag:s7] =	ssyncset.done $0x0  }
0x10: {  	[sflag:s7] =	ssyncadd.s32 $0xFFFFFF00  }
0x11: {  	[tilespmem:s8], [sflag:$0x1] =	stream.indirect.gather [hbm4b:s2+s8], $0x90, s3, s8, $0xb8;
	[tilespmem:$0x9100] =	vst v63  }
0x12: {  	_ =	swait.ge [sflag:s9], $0x9000  }
0x13: {  	[sflag:s9] =	ssyncset.done $0x0  }
0x14: {  	[sflag:s9] =	ssyncadd.s32 $0xFFFF7000  }
0x15: {  	[hbm4b:s5+s3] =	stream.linear.scatter [tilespmem:s8], [sflag:$0x2], $0x9000, $0x38;
	[tilespmem:$0x9100] =	vst v63  }
0x16: {  	s12 =	simm.s32 $0x20;
	_ =	swait.ge [sflag:s7], $0x9000  }
0x17: {  	s13 =	simm.s32 $0x40;
	s11 =	sadd.s32 $0x1200, s5;
	[sflag:s7] =	ssyncset.done $0x0  }
.LBB2_2:
0x18: {  	s14 =	sadd.s32 s12, s6  }
0x19: {  	[sflag:s7] =	ssyncadd.s32 $0xFFFF7000;
	s12 =	smov.u32 s13;
	s15 =	sadd.s32 $0x20, s13  }
0x1a: {  	[tilespmem:s3], [sflag:$0x2] =	stream.linear.gather [hbm4b:s14+s3], $0x100, $0x38;
	[tilespmem:$0x9100] =	vst v63  }
0x1b: {  	p0 =	sne.s32 s13, $0x160;
	_ =	swait.ge [sflag:s7], $0x100  }
0x1c: {  	[sflag:s7] =	ssyncset.done $0x0  }
0x1d: {  	[sflag:s7] =	ssyncadd.s32 $0xFFFFFF00  }
0x1e: {  	[tilespmem:s8], [sflag:$0x1] =	stream.indirect.gather [hbm4b:s2+s8], $0x90, s3, s8, $0xb8;
	[tilespmem:$0x9100] =	vst v63  }
0x1f: {  	_ =	swait.ge [sflag:s9], $0x9000  }
.Ltmp0:
0x20: {  	[sflag:s9] =	ssyncset.done $0x0;
	(pc) =	sbr.rel @p0 .LBB2_2-.Ltmp0, $4  }
0x21: {  	[sflag:s9] =	ssyncadd.s32 $0xFFFF7000  }
0x22: {  	[hbm4b:s11+s3] =	stream.linear.scatter [tilespmem:s8], [sflag:$0x2], $0x9000, $0x38;
	[tilespmem:$0x9100] =	vst v63  }
0x23: {  	_ =	swait.ge [sflag:s7], $0x9000  }
0x24: {  	s13 =	smov.u32 s15;
	s11 =	sadd.s32 $0x1200, s11;
	[sflag:s7] =	ssyncset.done $0x0  }
0x25: {  	s12 =	sadd.s32 s12, s6;
	[sflag:s7] =	ssyncadd.s32 $0xFFFF7000  }
0x26: {  	[tilespmem:s3], [sflag:$0x2] =	stream.linear.gather [hbm4b:s12+s3], $0x100, $0x38;
	[tilespmem:$0x9100] =	vst v63  }
0x27: {  	_ =	swait.ge [sflag:s7], $0x100  }
0x28: {  	[sflag:s7] =	ssyncset.done $0x0  }
0x29: {  	[sflag:s7] =	ssyncadd.s32 $0xFFFFFF00  }
0x2a: {  	[tilespmem:s8], [sflag:$0x1] =	stream.indirect.gather [hbm4b:s2+s8], $0x90, s3, s8, $0xb8;
	[tilespmem:$0x9100] =	vst v63  }
0x2b: {  	s10 =	sadd.s32 $0x1, s10;
	_ =	swait.ge [sflag:s9], $0x9000  }
0x2c: {  	p0 =	sne.s32 s10, s4;
	[sflag:s9] =	ssyncset.done $0x0  }
.Ltmp1:
0x2d: {  	[sflag:s9] =	ssyncadd.s32 $0xFFFF7000;
	(pc) =	sbr.rel @p0 .LBB2_1-.Ltmp1, $4  }
0x2e: {  	[hbm4b:s11+s3] =	stream.linear.scatter [tilespmem:s8], [sflag:$0x2], $0x9000, $0x38;
	[tilespmem:$0x9100] =	vst v63  }
0x2f: {  	_ =	swait.ge [sflag:s7], $0x9000  }
0x30: {  	[sflag:s7] =	ssyncset.done $0x0  }
0x31: {  	[sflag:s7] =	ssyncadd.s32 $0xFFFF7000  }
0x32: {  	_ =	sfence.sel $0x180000  }
0x33: {  	[bflag:$0x0] =	sbarrier.arrive $0xFFFF  }
0x34: {  	p0 =	sne.s32 s1, $0x0;
	_ =	strace $0x9000005C  }
0x35: {  	s0 =	sadd.s32 @!p0 $0x100000, s0;
	[bflag:$0x2] =	sbarrier.arrive $0xFFFF  }
0x36: {  	[sflag:s0] =	ssyncadd.tile.s32 @!p0 $0x1;
	_ =	shalt  }
.Lfunc_end2:
_tile_overlayer_lowered:
.L_overlay_start_2:
0x37: {  	(tag) =	ssettag $0x2  }
0x38: {  	s0 =	rddreg [dreg:$0x0];
	s2 =	stileid.u32  }
0x39: {  	s1 =	rddreg [dreg:$0x1];
	p0 =	sne.s32 s2, $0x0  }
0x3a: {  	s3 =	rddreg [dreg:$0x2];
	[bflag:$0x3] =	sbarrier.arrive $0xFFFF;
	s2 =	simm.s32 @!p0 $0x1C02  }
0x3b: {  	[timem:s3], [sflag:s2] =	dma.local @!p0 [hbm:s0], s1  }
0x3c: {  	s0 =	simm.s32 @!p0 $0x2  }
0x3d: {  	_ =	swait.ge @!p0 [sflag:s0], s1  }
0x3e: {  	s1 =	ssub.s32 @!p0 $0x0, s1;
	[sflag:s0] =	ssyncset.done @!p0 $0x0  }
0x3f: {  	[sflag:s0] =	ssyncadd.s32 @!p0 s1  }
0x40: {  	[bflag:$0x3] =	sbarrier.arrive $0xFFFF  }
0x41: {  	_ =	shalt  }

// kernel: kernel.5.cloned.1.call-start
scs
__scs_entry_jumppad:
0x0: {  	(pc) =	sbr.rel $0x88, $3  }
0x1: {  	(tag) =	ssettag $0x0;
	lr =	simm.s32 $0x1  }
0x2: {  	[smem:$0x3F78] =	sst lr;
	_ =	strace $0xD0000000  }
0x3: {  	_ = 	snop  }
0x4: {  	_ = 	snop  }
0x5: {  	_ = 	snop  }
0x6: {  	_ = 	snop  }
0x7: {  	_ = 	snop  }
__scs_overlays_trampoline_lowered:
0x8: {  	[smem:$0x3F87] =	sst s0  }
0x9: {  	[smem:$0x3F88] =	sst s1  }
0xa: {  	[smem:$0x3F89] =	sst s2  }
0xb: {  	[smem:$0x3F8A] =	sst s3  }
0xc: {  	[smem:$0x3F8B] =	sst s4  }
0xd: {  	[smem:$0x3F8C] =	sst s5  }
0xe: {  	[smem:$0x3F8D] =	sst s6  }
0xf: {  	[smem:$0x3F8E] =	sst s7  }
0x10: {  	[smem:$0x3F8F] =	sst s8  }
0x11: {  	[smem:$0x3F90] =	sst s9;
	s0 =	simm.s32 @!p0 $0x0  }
0x12: {  	s1 =	sld [smem:$0x3F76];
	s0 =	simm.s32 @p0 $0x1  }
0x13: {  	[smem:$0x3F91] =	sst s0;
	s0 =	simm.s32 @!p1 $0x0  }
0x14: {  	s2 =	sld [smem:$0x3F75];
	s0 =	simm.s32 @p1 $0x1  }
0x15: {  	[smem:$0x3F92] =	sst s0;
	s0 =	simm.s32 @!p2 $0x0  }
0x16: {  	s3 =	sld [smem:$0x3FDB];
	s0 =	simm.s32 @p2 $0x1  }
0x17: {  	s4 =	simm.s32 $0x1BF5;
	[smem:$0x3F94] =	sst s0  }
0x18: {  	s0 =	sld [smem:$0x3F77];
	_ =	swait.ge [sflag:s4], $0x0  }
0x19: {  	s7 =	sld [smem:$0x3F78]  }
0x1a: {  	s8 =	sadd.s32 $0xFFFFE003, lr  }
0x1b: {  	s9 =	sadd.s32 $0xFFFFFEF7, lr;
	s5 =	simm.s32 $0xFFFFFFFF;
	p2 =	slt.u32 s8, $0xFFFFF086  }
0x1c: {  	p1 =	slt.u32 s9, $0xF7A;
	s5 =	simm.s32 @!p2 $0x0  }
0x1d: {  	s5 =	simm.s32 @p1 $0x1;
	p0 =	seq.s32 s7, s2  }
0x1e: {  	s7 =	smul.u32 @!p0 $0xF7A, s2;
	p2 =	seq.s32 @!p0 s5, $0x0  }
0x1f: {  	s9 =	smul.u32 $0xF7A, s1;
	s8 =	simm.s32 @!p0 $0x1BF5;
	p2 =	por !p2, p0  }
0x20: {  	[sflag:s8] =	ssyncset.s32 @!p0 $0xFFFFF086;
	s6 =	sadd.s32 @!p0 s3, s7;
	s7 =	simm.s32 @!p0 $0x108  }
0x21: {  	s3 =	sadd.s32 s3, s9;
	s6 =	sadd.s32 @!p0 $0x88, s6;
	s7 =	simm.s32 @p2 $0x1082  }
0x22: {  	[simem:s7], [sflag:s8] =	dma.local @!p0 [hbm:s6], $0xF7A  }
0x23: {  	s9 =	sor.u32 $0xD0000000, s2;
	s6 =	simm.s32 $0x108;
	_ =	swait.ge @!p0 [sflag:s8], $0x0  }
0x24: {  	s3 =	sadd.s32 $0x88, s3;
	s6 =	simm.s32 @!p1 $0x1082;
	[sflag:s4] =	ssyncset.s32 $0xFFFFF086  }
0x25: {  	[simem:s6], [sflag:s4] =	dma.local [hbm:s3], $0xF7A  }
0x26: {  	[smem:$0x3F78] =	sst s1;
	(tag) =	ssettag s2;
	_ =	strace s9  }
0x27: {  	s1 =	sld [smem:$0x3F88]  }
0x28: {  	s2 =	sld [smem:$0x3F89]  }
0x29: {  	s4 =	sld [smem:$0x3F8B]  }
0x2a: {  	p0 =	seq.s32 s5, $0x0;
	s5 =	sld [smem:$0x3F8C]  }
0x2b: {  	s6 =	sld [smem:$0x3F8D]  }
0x2c: {  	s7 =	sld [smem:$0x3F8E]  }
0x2d: {  	s3 =	simm.s32 $0x108;
	s8 =	sld [smem:$0x3F8F]  }
0x2e: {  	s3 =	simm.s32 @!p0 $0x1082;
	s9 =	sld [smem:$0x3F90]  }
0x2f: {  	lr =	sadd.s32 s0, s3;
	s0 =	sld [smem:$0x3F87]  }
0x30: {  	s3 =	sld [smem:$0x3F8A]  }
0x31: {  	[smem:$0x3F93] =	sst s10  }
0x32: {  	s10 =	sld [smem:$0x3F91];
	_ =	sdelay $0x3  }
0x33: {  	p0 =	seq.s32 s10, $0x1;
	s10 =	sld [smem:$0x3F93];
	_ =	sdelay $0x3  }
0x34: {  	[smem:$0x3F93] =	sst s10  }
0x35: {  	s10 =	sld [smem:$0x3F92];
	_ =	sdelay $0x3  }
0x36: {  	p1 =	seq.s32 s10, $0x1;
	s10 =	sld [smem:$0x3F93];
	_ =	sdelay $0x3  }
0x37: {  	[smem:$0x3F93] =	sst s10  }
0x38: {  	s10 =	sld [smem:$0x3F94]  }
0x39: {  	_ = 	snop;
	(pc) =	sbr.ind lr, $3  }
0x3a: {  	_ = 	snop  }
0x3b: {  	_ = 	snop  }
0x3c: {  	p2 =	seq.s32 s10, $0x1;
	s10 =	sld [smem:$0x3F93]  }
0x3d: {  	_ =	shalt  }
0x3e: {  	_ =	shalt  }
0x3f: {  	_ =	shalt  }
0x40: {  	_ =	shalt  }
0x41: {  	_ =	shalt  }
0x42: {  	_ =	shalt  }
0x43: {  	_ =	shalt  }
0x44: {  	_ =	shalt  }
0x45: {  	_ =	shalt  }
0x46: {  	_ =	shalt  }
0x47: {  	_ =	shalt  }
0x48: {  	_ =	shalt  }
0x49: {  	_ =	shalt  }
0x4a: {  	_ =	shalt  }
0x4b: {  	_ =	shalt  }
0x4c: {  	_ =	shalt  }
0x4d: {  	_ =	shalt  }
0x4e: {  	_ =	shalt  }
0x4f: {  	_ =	shalt  }
0x50: {  	_ =	shalt  }
0x51: {  	_ =	shalt  }
0x52: {  	_ =	shalt  }
0x53: {  	_ =	shalt  }
0x54: {  	_ =	shalt  }
0x55: {  	_ =	shalt  }
0x56: {  	_ =	shalt  }
0x57: {  	_ =	shalt  }
0x58: {  	_ =	shalt  }
0x59: {  	_ =	shalt  }
0x5a: {  	_ =	shalt  }
0x5b: {  	_ =	shalt  }
0x5c: {  	_ =	shalt  }
0x5d: {  	_ =	shalt  }
0x5e: {  	_ =	shalt  }
0x5f: {  	_ =	shalt  }
0x60: {  	_ =	shalt  }
0x61: {  	_ =	shalt  }
0x62: {  	_ =	shalt  }
0x63: {  	_ =	shalt  }
0x64: {  	_ =	shalt  }
0x65: {  	_ =	shalt  }
0x66: {  	_ =	shalt  }
0x67: {  	_ =	shalt  }
0x68: {  	_ =	shalt  }
0x69: {  	_ =	shalt  }
0x6a: {  	_ =	shalt  }
0x6b: {  	_ =	shalt  }
0x6c: {  	_ =	shalt  }
0x6d: {  	_ =	shalt  }
0x6e: {  	_ =	shalt  }
0x6f: {  	_ =	shalt  }
0x70: {  	_ =	shalt  }
0x71: {  	_ =	shalt  }
0x72: {  	_ =	shalt  }
0x73: {  	_ =	shalt  }
0x74: {  	_ =	shalt  }
0x75: {  	_ =	shalt  }
0x76: {  	_ =	shalt  }
0x77: {  	_ =	shalt  }
0x78: {  	_ =	shalt  }
0x79: {  	_ =	shalt  }
0x7a: {  	_ =	shalt  }
0x7b: {  	_ =	shalt  }
0x7c: {  	_ =	shalt  }
0x7d: {  	_ =	shalt  }
0x7e: {  	_ =	shalt  }
0x7f: {  	_ =	shalt  }
0x80: {  	_ =	shalt  }
0x81: {  	_ =	shalt  }
0x82: {  	_ =	shalt  }
0x83: {  	_ =	shalt  }
0x84: {  	_ =	shalt  }
0x85: {  	_ =	shalt  }
0x86: {  	_ =	shalt  }
0x87: {  	_ =	shalt  }
.Lfunc_end0:
.L_simem_size_0:
called_computation.7_lowered:
.L_overlay_start_0:
0x88: {  	s2 =	sld [smem:$0x3FD9]  }
0x89: {  	s3 =	sld [smem:$0x3FFE];
	_ =	sdelay $0x1  }
0x8a: {  	s1 =	srdreg.scid  }
0x8b: {  	s0 =	sand.u32 $0x1, s1  }
0x8c: {  	s17 =	sshll.u32 s0, $0xA;
	s2 =	sadd.s32 s3, s2  }
0x8d: {  	s2 =	sadd.s32 s2, s17  }
0x8e: {  	[smem:$0x3F9F] =	sst s2  }
0x8f: {  	_ = 	snop  }
0x90: {  	s2 =	sld [smem:$0x3FD0];
	(tm) =	ssettm $0x1  }
0x91: {  	s18 =	sld [smem:$0x3FFB];
	_ =	sdelay $0x3  }
0x92: {  	_ =	strace s18  }
0x93: {  	s3 =	sld [smem:$0x3FFC];
	_ =	sdelay $0x3  }
0x94: {  	_ =	strace s3  }
0x95: {  	s3 =	sld [smem:$0x3FFD];
	_ =	sdelay $0x3  }
0x96: {  	_ =	strace s3  }
0x97: {  	_ =	strace $0x8FFFFFFF  }
0x98: {  	s19 =	sld [smem:$0x3FDB];
	_ =	sdelay $0x1  }
0x99: {  	s4 =	simm.s32 $_scs_section_size  }
0x9a: {  	s5 =	simm.s32 $_size__tile_overlayer_lowered;
	s6 =	simm.s32 $_tile_overlayer_lowered  }
0x9b: {  	s22 =	simm.s32 $0x1BFF;
	s21 =	sshll.u32 s6, $0x1;
	s3 =	sadd.s32 s4, s19  }
0x9c: {  	s7 =	simm.s32 $0x0;
	s20 =	sshll.u32 s5, $0x1;
	s5 =	sadd.s32 s21, s3  }
0x9d: {  	[timem:s7], [sflag:s22] =	dma.local [hbm:s5], s20  }
0x9e: {  	_ =	swait.ge [sflag:s22], s20  }
0x9f: {  	s4 =	ssub.s32 $0x0, s20;
	[sflag:s22] =	ssyncset.done $0x0  }
0xa0: {  	[sflag:s22] =	ssyncadd.s32 s4;
	_ =	sdelay $0x1  }
0xa1: {  	s23 =	simm.s32 $0x1B8B  }
0xa2: {  	_ =	swait.ge [sflag:s23], $0x1  }
0xa3: {  	[sflag:s23] =	ssyncset.done $0x0  }
0xa4: {  	s25 =	simm.s32 $0x1B8E;
	s24 =	sld [smem:$0x3FFE];
	[sflag:s23] =	ssyncadd.s32 $0xFFFFFFFF  }
0xa5: {  	s26 =	simm.s32 $execute0_lowered;
	[smem:$0x3FD2] =	sst s25  }
0xa6: {  	s5 =	sshll.u32 s26, $0x1;
	_ =	strace $0x80000049;
	[dreg:$0x1] =	wrdreg $0xFFFFFFFF  }
0xa7: {  	s28 =	simm.s32 $_size_execute0_lowered;
	s3 =	sadd.s32 s3, s5;
	[dreg:$0x0] =	wrdreg $0x0  }
0xa8: {  	s5 =	sshll.u32 s28, $0x1;
	[dreg:$0x2] =	wrdreg s3  }
0xa9: {  	[dreg:$0x3] =	wrdreg s5  }
0xaa: {  	[dreg:$0x4] =	wrdreg $0xC0  }
0xab: {  	_ =	task [dreg:s7], $0x5FFFF  }
0xac: {  	[dreg:$0x1] =	wrdreg $0xFFFFFFFF  }
0xad: {  	[dreg:$0x0] =	wrdreg $0x60  }
0xae: {  	[dreg:$0x2] =	wrdreg s2  }
0xaf: {  	[dreg:$0x3] =	wrdreg s24  }
0xb0: {  	[dreg:$0x4] =	wrdreg $0x9  }
0xb1: {  	_ =	task.clear_ibuf [dreg:s7], $0x5FFFF;
	_ =	strace $0x90000049  }
0xb2: {  	s29 =	simm.s32 $0x9;
	_ =	strace $0x8000004B  }
0xb3: {  	_ =	swait.ge [sflag:s29], $0x1  }
0xb4: {  	[sflag:s29] =	ssyncadd.s32 $0xFFFFFFFF  }
0xb5: {  	_ =	strace $0x9000004B  }
0xb6: {  	_ =	sfence  }
0xb7: {  	s30 =	sld [smem:$0x0];
	_ =	sdelay $0x2  }
0xb8: {  	s31 =	sshll.u32 s1, $0xD;
	s1 =	sshrl.u32 s1, $0x2  }
0xb9: {  	s3 =	sand.u32 $0x4000, s31;
	s1 =	sadd.s32 s1, s30  }
0xba: {  	s0 =	sor.u32 s3, s0;
	s1 =	sshll.u32 s1, $0x11  }
0xbb: {  	s0 =	sor.u32 s1, s0  }
0xbc: {  	s0 =	sadd.s32 $0x8F2B, s0  }
0xbd: {  	[sflag:s0] =	ssyncadd.remote.s32 $0x1  }
0xbe: {  	_ =	sfence.sel $0xFFFF  }
0xbf: {  	[dreg:$0x0] =	wrdreg $0xFFFFFFFF;
	(pc) =	sbr.abs _section_cstart, $3  }
0xc0: {  	[dreg:$0x1] =	wrdreg $0xFFFFFFFF  }
0xc1: {  	_ =	task.clear_ibuf [dreg:s7], $0x2FFFF;
	_ =	strace $0x9FFFFFFF  }
0xc2: {  	(tm) =	ssettm $0x7FFFFFFF  }
0xc3: {  	_ =	shalt  }
tec
execute0_lowered:
.L_overlay_start_1:
0x0: {  	(tag) =	ssettag $0x1  }
0x1: {  	s2 =	rddreg [dreg:$0x0]  }
0x2: {  	s4 =	rddreg [dreg:$0x1]  }
0x3: {  	s0 =	rddreg [dreg:$0x2];
	s1 =	stileid.u32  }
0x4: {  	s5 =	srdreg.scid;
	s3 =	simm.s32 $0x0;
	s6 =	smul.u32 $0x1800, s1  }
0x5: {  	s10 =	simm.s32 $0x0;
	s5 =	sand.u32 $0x1, s5;
	s8 =	smul.u32 $0x6000, s1  }
0x6: {  	[smem:$0x7FF] =	sst s3;
	s7 =	smul.u32 $0xC00, s5;
	s9 =	ssub.s32 $0x2, s5  }
0x7: {  	_ =	strace $0x8000004A;
	s5 =	smul.u32 $0x3000, s5;
	s31 =	sshrl.u32 s9, $0x1  }
0x8: {  	s8 =	sadd.s32 s8, s4;
	s6 =	sadd.s32 s7, s6;
	s7 =	ssub.s32 s9, s31  }
0x9: {  	s5 =	sadd.s32 s5, s8;
	s8 =	simm.s32 $0x100;
	s6 =	sshrl.u32 s6, $0x3  }
0xa: {  	s9 =	simm.s32 $0x1;
	s5 =	sadd.s32 $0x103000, s5;
	s6 =	sadd.s32 s6, s4  }
0xb: {  	s4 =	smax.u32 s7, $0x1;
	s7 =	simm.s32 $0x2;
	s6 =	sadd.s32 $0x100000, s6  }
.LBB2_1:
0xc: {  	s11 =	sadd.s32 $0x0, s6  }
0xd: {  	[tilespmem:s3], [sflag:$0x2] =	stream.linear.gather [hbm4b:s11+s3], $0x100, $0x38;
	[tilespmem:$0x2100] =	vst v63  }
0xe: {  	_ =	swait.ge [sflag:s7], $0x100  }
0xf: {  	[sflag:s7] =	ssyncset.done $0x0  }
0x10: {  	[sflag:s7] =	ssyncadd.s32 $0xFFFFFF00  }
0x11: {  	[tilespmem:s8], [sflag:$0x1] =	stream.indirect.gather [hbm4b:s2+s8], $0x20, s3, s8, $0xb8;
	[tilespmem:$0x2100] =	vst v63  }
0x12: {  	_ =	swait.ge [sflag:s9], $0x2000  }
0x13: {  	[sflag:s9] =	ssyncset.done $0x0  }
0x14: {  	[sflag:s9] =	ssyncadd.s32 $0xFFFFE000  }
0x15: {  	[hbm4b:s5+s3] =	stream.linear.scatter [tilespmem:s8], [sflag:$0x2], $0x2000, $0x38;
	[tilespmem:$0x2100] =	vst v63  }
0x16: {  	s12 =	simm.s32 $0x20;
	_ =	swait.ge [sflag:s7], $0x2000  }
0x17: {  	s13 =	simm.s32 $0x40;
	s11 =	sadd.s32 $0x400, s5;
	[sflag:s7] =	ssyncset.done $0x0  }
.LBB2_2:
0x18: {  	s14 =	sadd.s32 s12, s6  }
0x19: {  	[sflag:s7] =	ssyncadd.s32 $0xFFFFE000;
	s12 =	smov.u32 s13;
	s15 =	sadd.s32 $0x20, s13  }
0x1a: {  	[tilespmem:s3], [sflag:$0x2] =	stream.linear.gather [hbm4b:s14+s3], $0x100, $0x38;
	[tilespmem:$0x2100] =	vst v63  }
0x1b: {  	p0 =	sne.s32 s13, $0x160;
	_ =	swait.ge [sflag:s7], $0x100  }
0x1c: {  	[sflag:s7] =	ssyncset.done $0x0  }
0x1d: {  	[sflag:s7] =	ssyncadd.s32 $0xFFFFFF00  }
0x1e: {  	[tilespmem:s8], [sflag:$0x1] =	stream.indirect.gather [hbm4b:s2+s8], $0x20, s3, s8, $0xb8;
	[tilespmem:$0x2100] =	vst v63  }
0x1f: {  	_ =	swait.ge [sflag:s9], $0x2000  }
.Ltmp0:
0x20: {  	[sflag:s9] =	ssyncset.done $0x0;
	(pc) =	sbr.rel @p0 .LBB2_2-.Ltmp0, $4  }
0x21: {  	[sflag:s9] =	ssyncadd.s32 $0xFFFFE000  }
0x22: {  	[hbm4b:s11+s3] =	stream.linear.scatter [tilespmem:s8], [sflag:$0x2], $0x2000, $0x38;
	[tilespmem:$0x2100] =	vst v63  }
0x23: {  	_ =	swait.ge [sflag:s7], $0x2000  }
0x24: {  	s13 =	smov.u32 s15;
	s11 =	sadd.s32 $0x400, s11;
	[sflag:s7] =	ssyncset.done $0x0  }
0x25: {  	s12 =	sadd.s32 s12, s6;
	[sflag:s7] =	ssyncadd.s32 $0xFFFFE000  }
0x26: {  	[tilespmem:s3], [sflag:$0x2] =	stream.linear.gather [hbm4b:s12+s3], $0x100, $0x38;
	[tilespmem:$0x2100] =	vst v63  }
0x27: {  	_ =	swait.ge [sflag:s7], $0x100  }
0x28: {  	[sflag:s7] =	ssyncset.done $0x0  }
0x29: {  	[sflag:s7] =	ssyncadd.s32 $0xFFFFFF00  }
0x2a: {  	[tilespmem:s8], [sflag:$0x1] =	stream.indirect.gather [hbm4b:s2+s8], $0x20, s3, s8, $0xb8;
	[tilespmem:$0x2100] =	vst v63  }
0x2b: {  	s10 =	sadd.s32 $0x1, s10;
	_ =	swait.ge [sflag:s9], $0x2000  }
0x2c: {  	p0 =	sne.s32 s10, s4;
	[sflag:s9] =	ssyncset.done $0x0  }
.Ltmp1:
0x2d: {  	[sflag:s9] =	ssyncadd.s32 $0xFFFFE000;
	(pc) =	sbr.rel @p0 .LBB2_1-.Ltmp1, $4  }
0x2e: {  	[hbm4b:s11+s3] =	stream.linear.scatter [tilespmem:s8], [sflag:$0x2], $0x2000, $0x38;
	[tilespmem:$0x2100] =	vst v63  }
0x2f: {  	_ =	swait.ge [sflag:s7], $0x2000  }
0x30: {  	[sflag:s7] =	ssyncset.done $0x0  }
0x31: {  	[sflag:s7] =	ssyncadd.s32 $0xFFFFE000  }
0x32: {  	_ =	sfence.sel $0x180000  }
0x33: {  	[bflag:$0x0] =	sbarrier.arrive $0xFFFF  }
0x34: {  	p0 =	sne.s32 s1, $0x0;
	_ =	strace $0x9000004A  }
0x35: {  	s0 =	sadd.s32 @!p0 $0x100000, s0;
	[bflag:$0x2] =	sbarrier.arrive $0xFFFF  }
0x36: {  	[sflag:s0] =	ssyncadd.tile.s32 @!p0 $0x1;
	_ =	shalt  }
.Lfunc_end2:
_tile_overlayer_lowered:
.L_overlay_start_2:
0x37: {  	(tag) =	ssettag $0x2  }
0x38: {  	s0 =	rddreg [dreg:$0x0];
	s2 =	stileid.u32  }
0x39: {  	s1 =	rddreg [dreg:$0x1];
	p0 =	sne.s32 s2, $0x0  }
0x3a: {  	s3 =	rddreg [dreg:$0x2];
	[bflag:$0x3] =	sbarrier.arrive $0xFFFF;
	s2 =	simm.s32 @!p0 $0x1C02  }
0x3b: {  	[timem:s3], [sflag:s2] =	dma.local @!p0 [hbm:s0], s1  }
0x3c: {  	s0 =	simm.s32 @!p0 $0x2  }
0x3d: {  	_ =	swait.ge @!p0 [sflag:s0], s1  }
0x3e: {  	s1 =	ssub.s32 @!p0 $0x0, s1;
	[sflag:s0] =	ssyncset.done @!p0 $0x0  }
0x3f: {  	[sflag:s0] =	ssyncadd.s32 @!p0 s1  }
0x40: {  	[bflag:$0x3] =	sbarrier.arrive $0xFFFF  }
0x41: {  	_ =	shalt  }

// kernel: kernel.8.cloned.1.call-start
scs
__scs_entry_jumppad:
0x0: {  	(pc) =	sbr.rel $0x88, $3  }
0x1: {  	(tag) =	ssettag $0x0;
	lr =	simm.s32 $0x1  }
0x2: {  	[smem:$0x3F78] =	sst lr;
	_ =	strace $0xD0000000  }
0x3: {  	_ = 	snop  }
0x4: {  	_ = 	snop  }
0x5: {  	_ = 	snop  }
0x6: {  	_ = 	snop  }
0x7: {  	_ = 	snop  }
__scs_overlays_trampoline_lowered:
0x8: {  	[smem:$0x3F87] =	sst s0  }
0x9: {  	[smem:$0x3F88] =	sst s1  }
0xa: {  	[smem:$0x3F89] =	sst s2  }
0xb: {  	[smem:$0x3F8A] =	sst s3  }
0xc: {  	[smem:$0x3F8B] =	sst s4  }
0xd: {  	[smem:$0x3F8C] =	sst s5  }
0xe: {  	[smem:$0x3F8D] =	sst s6  }
0xf: {  	[smem:$0x3F8E] =	sst s7  }
0x10: {  	[smem:$0x3F8F] =	sst s8  }
0x11: {  	[smem:$0x3F90] =	sst s9;
	s0 =	simm.s32 @!p0 $0x0  }
0x12: {  	s1 =	sld [smem:$0x3F76];
	s0 =	simm.s32 @p0 $0x1  }
0x13: {  	[smem:$0x3F91] =	sst s0;
	s0 =	simm.s32 @!p1 $0x0  }
0x14: {  	s2 =	sld [smem:$0x3F75];
	s0 =	simm.s32 @p1 $0x1  }
0x15: {  	[smem:$0x3F92] =	sst s0;
	s0 =	simm.s32 @!p2 $0x0  }
0x16: {  	s3 =	sld [smem:$0x3FDB];
	s0 =	simm.s32 @p2 $0x1  }
0x17: {  	s4 =	simm.s32 $0x1BF5;
	[smem:$0x3F94] =	sst s0  }
0x18: {  	s0 =	sld [smem:$0x3F77];
	_ =	swait.ge [sflag:s4], $0x0  }
0x19: {  	s7 =	sld [smem:$0x3F78]  }
0x1a: {  	s8 =	sadd.s32 $0xFFFFE003, lr  }
0x1b: {  	s9 =	sadd.s32 $0xFFFFFEF7, lr;
	s5 =	simm.s32 $0xFFFFFFFF;
	p2 =	slt.u32 s8, $0xFFFFF086  }
0x1c: {  	p1 =	slt.u32 s9, $0xF7A;
	s5 =	simm.s32 @!p2 $0x0  }
0x1d: {  	s5 =	simm.s32 @p1 $0x1;
	p0 =	seq.s32 s7, s2  }
0x1e: {  	s7 =	smul.u32 @!p0 $0xF7A, s2;
	p2 =	seq.s32 @!p0 s5, $0x0  }
0x1f: {  	s9 =	smul.u32 $0xF7A, s1;
	s8 =	simm.s32 @!p0 $0x1BF5;
	p2 =	por !p2, p0  }
0x20: {  	[sflag:s8] =	ssyncset.s32 @!p0 $0xFFFFF086;
	s6 =	sadd.s32 @!p0 s3, s7;
	s7 =	simm.s32 @!p0 $0x108  }
0x21: {  	s3 =	sadd.s32 s3, s9;
	s6 =	sadd.s32 @!p0 $0x88, s6;
	s7 =	simm.s32 @p2 $0x1082  }
0x22: {  	[simem:s7], [sflag:s8] =	dma.local @!p0 [hbm:s6], $0xF7A  }
0x23: {  	s9 =	sor.u32 $0xD0000000, s2;
	s6 =	simm.s32 $0x108;
	_ =	swait.ge @!p0 [sflag:s8], $0x0  }
0x24: {  	s3 =	sadd.s32 $0x88, s3;
	s6 =	simm.s32 @!p1 $0x1082;
	[sflag:s4] =	ssyncset.s32 $0xFFFFF086  }
0x25: {  	[simem:s6], [sflag:s4] =	dma.local [hbm:s3], $0xF7A  }
0x26: {  	[smem:$0x3F78] =	sst s1;
	(tag) =	ssettag s2;
	_ =	strace s9  }
0x27: {  	s1 =	sld [smem:$0x3F88]  }
0x28: {  	s2 =	sld [smem:$0x3F89]  }
0x29: {  	s4 =	sld [smem:$0x3F8B]  }
0x2a: {  	p0 =	seq.s32 s5, $0x0;
	s5 =	sld [smem:$0x3F8C]  }
0x2b: {  	s6 =	sld [smem:$0x3F8D]  }
0x2c: {  	s7 =	sld [smem:$0x3F8E]  }
0x2d: {  	s3 =	simm.s32 $0x108;
	s8 =	sld [smem:$0x3F8F]  }
0x2e: {  	s3 =	simm.s32 @!p0 $0x1082;
	s9 =	sld [smem:$0x3F90]  }
0x2f: {  	lr =	sadd.s32 s0, s3;
	s0 =	sld [smem:$0x3F87]  }
0x30: {  	s3 =	sld [smem:$0x3F8A]  }
0x31: {  	[smem:$0x3F93] =	sst s10  }
0x32: {  	s10 =	sld [smem:$0x3F91];
	_ =	sdelay $0x3  }
0x33: {  	p0 =	seq.s32 s10, $0x1;
	s10 =	sld [smem:$0x3F93];
	_ =	sdelay $0x3  }
0x34: {  	[smem:$0x3F93] =	sst s10  }
0x35: {  	s10 =	sld [smem:$0x3F92];
	_ =	sdelay $0x3  }
0x36: {  	p1 =	seq.s32 s10, $0x1;
	s10 =	sld [smem:$0x3F93];
	_ =	sdelay $0x3  }
0x37: {  	[smem:$0x3F93] =	sst s10  }
0x38: {  	s10 =	sld [smem:$0x3F94]  }
0x39: {  	_ = 	snop;
	(pc) =	sbr.ind lr, $3  }
0x3a: {  	_ = 	snop  }
0x3b: {  	_ = 	snop  }
0x3c: {  	p2 =	seq.s32 s10, $0x1;
	s10 =	sld [smem:$0x3F93]  }
0x3d: {  	_ =	shalt  }
0x3e: {  	_ =	shalt  }
0x3f: {  	_ =	shalt  }
0x40: {  	_ =	shalt  }
0x41: {  	_ =	shalt  }
0x42: {  	_ =	shalt  }
0x43: {  	_ =	shalt  }
0x44: {  	_ =	shalt  }
0x45: {  	_ =	shalt  }
0x46: {  	_ =	shalt  }
0x47: {  	_ =	shalt  }
0x48: {  	_ =	shalt  }
0x49: {  	_ =	shalt  }
0x4a: {  	_ =	shalt  }
0x4b: {  	_ =	shalt  }
0x4c: {  	_ =	shalt  }
0x4d: {  	_ =	shalt  }
0x4e: {  	_ =	shalt  }
0x4f: {  	_ =	shalt  }
0x50: {  	_ =	shalt  }
0x51: {  	_ =	shalt  }
0x52: {  	_ =	shalt  }
0x53: {  	_ =	shalt  }
0x54: {  	_ =	shalt  }
0x55: {  	_ =	shalt  }
0x56: {  	_ =	shalt  }
0x57: {  	_ =	shalt  }
0x58: {  	_ =	shalt  }
0x59: {  	_ =	shalt  }
0x5a: {  	_ =	shalt  }
0x5b: {  	_ =	shalt  }
0x5c: {  	_ =	shalt  }
0x5d: {  	_ =	shalt  }
0x5e: {  	_ =	shalt  }
0x5f: {  	_ =	shalt  }
0x60: {  	_ =	shalt  }
0x61: {  	_ =	shalt  }
0x62: {  	_ =	shalt  }
0x63: {  	_ =	shalt  }
0x64: {  	_ =	shalt  }
0x65: {  	_ =	shalt  }
0x66: {  	_ =	shalt  }
0x67: {  	_ =	shalt  }
0x68: {  	_ =	shalt  }
0x69: {  	_ =	shalt  }
0x6a: {  	_ =	shalt  }
0x6b: {  	_ =	shalt  }
0x6c: {  	_ =	shalt  }
0x6d: {  	_ =	shalt  }
0x6e: {  	_ =	shalt  }
0x6f: {  	_ =	shalt  }
0x70: {  	_ =	shalt  }
0x71: {  	_ =	shalt  }
0x72: {  	_ =	shalt  }
0x73: {  	_ =	shalt  }
0x74: {  	_ =	shalt  }
0x75: {  	_ =	shalt  }
0x76: {  	_ =	shalt  }
0x77: {  	_ =	shalt  }
0x78: {  	_ =	shalt  }
0x79: {  	_ =	shalt  }
0x7a: {  	_ =	shalt  }
0x7b: {  	_ =	shalt  }
0x7c: {  	_ =	shalt  }
0x7d: {  	_ =	shalt  }
0x7e: {  	_ =	shalt  }
0x7f: {  	_ =	shalt  }
0x80: {  	_ =	shalt  }
0x81: {  	_ =	shalt  }
0x82: {  	_ =	shalt  }
0x83: {  	_ =	shalt  }
0x84: {  	_ =	shalt  }
0x85: {  	_ =	shalt  }
0x86: {  	_ =	shalt  }
0x87: {  	_ =	shalt  }
.Lfunc_end0:
.L_simem_size_0:
called_computation.8_lowered:
.L_overlay_start_0:
0x88: {  	s2 =	sld [smem:$0x3FD9]  }
0x89: {  	s3 =	sld [smem:$0x3FFE];
	_ =	sdelay $0x1  }
0x8a: {  	s1 =	srdreg.scid  }
0x8b: {  	s0 =	sand.u32 $0x1, s1  }
0x8c: {  	s17 =	sshll.u32 s0, $0xA;
	s2 =	sadd.s32 s3, s2  }
0x8d: {  	s2 =	sadd.s32 s2, s17  }
0x8e: {  	[smem:$0x3F9F] =	sst s2  }
0x8f: {  	_ = 	snop  }
0x90: {  	s2 =	sld [smem:$0x3FD0];
	(tm) =	ssettm $0x1  }
0x91: {  	s18 =	sld [smem:$0x3FFB];
	_ =	sdelay $0x3  }
0x92: {  	_ =	strace s18  }
0x93: {  	s3 =	sld [smem:$0x3FFC];
	_ =	sdelay $0x3  }
0x94: {  	_ =	strace s3  }
0x95: {  	s3 =	sld [smem:$0x3FFD];
	_ =	sdelay $0x3  }
0x96: {  	_ =	strace s3  }
0x97: {  	_ =	strace $0x8FFFFFFF  }
0x98: {  	s19 =	sld [smem:$0x3FDB];
	_ =	sdelay $0x1  }
0x99: {  	s4 =	simm.s32 $_scs_section_size  }
0x9a: {  	s5 =	simm.s32 $_size__tile_overlayer_lowered;
	s6 =	simm.s32 $_tile_overlayer_lowered  }
0x9b: {  	s22 =	simm.s32 $0x1BFF;
	s21 =	sshll.u32 s6, $0x1;
	s3 =	sadd.s32 s4, s19  }
0x9c: {  	s7 =	simm.s32 $0x0;
	s20 =	sshll.u32 s5, $0x1;
	s5 =	sadd.s32 s21, s3  }
0x9d: {  	[timem:s7], [sflag:s22] =	dma.local [hbm:s5], s20  }
0x9e: {  	_ =	swait.ge [sflag:s22], s20  }
0x9f: {  	s4 =	ssub.s32 $0x0, s20;
	[sflag:s22] =	ssyncset.done $0x0  }
0xa0: {  	[sflag:s22] =	ssyncadd.s32 s4;
	_ =	sdelay $0x1  }
0xa1: {  	s23 =	simm.s32 $0x1B8B  }
0xa2: {  	_ =	swait.ge [sflag:s23], $0x1  }
0xa3: {  	[sflag:s23] =	ssyncset.done $0x0  }
0xa4: {  	s25 =	simm.s32 $0x1B8E;
	s24 =	sld [smem:$0x3FFE];
	[sflag:s23] =	ssyncadd.s32 $0xFFFFFFFF  }
0xa5: {  	s26 =	simm.s32 $execute0_lowered;
	[smem:$0x3FD2] =	sst s25  }
0xa6: {  	s5 =	sshll.u32 s26, $0x1;
	_ =	strace $0x8000004F;
	[dreg:$0x1] =	wrdreg $0xFFFFFFFF  }
0xa7: {  	s28 =	simm.s32 $_size_execute0_lowered;
	s3 =	sadd.s32 s3, s5;
	[dreg:$0x0] =	wrdreg $0x0  }
0xa8: {  	s5 =	sshll.u32 s28, $0x1;
	[dreg:$0x2] =	wrdreg s3  }
0xa9: {  	[dreg:$0x3] =	wrdreg s5  }
0xaa: {  	[dreg:$0x4] =	wrdreg $0xC0  }
0xab: {  	_ =	task [dreg:s7], $0x5FFFF  }
0xac: {  	[dreg:$0x1] =	wrdreg $0xFFFFFFFF  }
0xad: {  	[dreg:$0x0] =	wrdreg $0x60  }
0xae: {  	[dreg:$0x2] =	wrdreg s2  }
0xaf: {  	[dreg:$0x3] =	wrdreg s24  }
0xb0: {  	[dreg:$0x4] =	wrdreg $0x9  }
0xb1: {  	_ =	task.clear_ibuf [dreg:s7], $0x5FFFF;
	_ =	strace $0x9000004F  }
0xb2: {  	s29 =	simm.s32 $0x9;
	_ =	strace $0x80000051  }
0xb3: {  	_ =	swait.ge [sflag:s29], $0x1  }
0xb4: {  	[sflag:s29] =	ssyncadd.s32 $0xFFFFFFFF  }
0xb5: {  	_ =	strace $0x90000051  }
0xb6: {  	_ =	sfence  }
0xb7: {  	s30 =	sld [smem:$0x0];
	_ =	sdelay $0x2  }
0xb8: {  	s31 =	sshll.u32 s1, $0xD;
	s1 =	sshrl.u32 s1, $0x2  }
0xb9: {  	s3 =	sand.u32 $0x4000, s31;
	s1 =	sadd.s32 s1, s30  }
0xba: {  	s0 =	sor.u32 s3, s0;
	s1 =	sshll.u32 s1, $0x11  }
0xbb: {  	s0 =	sor.u32 s1, s0  }
0xbc: {  	s0 =	sadd.s32 $0x8F2B, s0  }
0xbd: {  	[sflag:s0] =	ssyncadd.remote.s32 $0x1  }
0xbe: {  	_ =	sfence.sel $0xFFFF  }
0xbf: {  	[dreg:$0x0] =	wrdreg $0xFFFFFFFF;
	(pc) =	sbr.abs _section_cstart, $3  }
0xc0: {  	[dreg:$0x1] =	wrdreg $0xFFFFFFFF  }
0xc1: {  	_ =	task.clear_ibuf [dreg:s7], $0x2FFFF;
	_ =	strace $0x9FFFFFFF  }
0xc2: {  	(tm) =	ssettm $0x7FFFFFFF  }
0xc3: {  	_ =	shalt  }
tec
execute0_lowered:
.L_overlay_start_1:
0x0: {  	(tag) =	ssettag $0x1  }
0x1: {  	s2 =	rddreg [dreg:$0x0]  }
0x2: {  	s4 =	rddreg [dreg:$0x1]  }
0x3: {  	s0 =	rddreg [dreg:$0x2];
	s1 =	stileid.u32  }
0x4: {  	s5 =	srdreg.scid;
	s3 =	simm.s32 $0x0;
	s6 =	smul.u32 $0x1800, s1  }
0x5: {  	s10 =	simm.s32 $0x0;
	s5 =	sand.u32 $0x1, s5;
	s8 =	smul.u32 $0xF000, s1  }
0x6: {  	[smem:$0x7FF] =	sst s3;
	s7 =	smul.u32 $0xC00, s5;
	s9 =	ssub.s32 $0x2, s5  }
0x7: {  	_ =	strace $0x80000050;
	s5 =	smul.u32 $0x7800, s5;
	s31 =	sshrl.u32 s9, $0x1  }
0x8: {  	s8 =	sadd.s32 s8, s4;
	s6 =	sadd.s32 s7, s6;
	s7 =	ssub.s32 s9, s31  }
0x9: {  	s5 =	sadd.s32 s5, s8;
	s8 =	simm.s32 $0x100;
	s6 =	sshrl.u32 s6, $0x3  }
0xa: {  	s9 =	simm.s32 $0x1;
	s5 =	sadd.s32 $0x223000, s5;
	s6 =	sadd.s32 s6, s4  }
0xb: {  	s4 =	smax.u32 s7, $0x1;
	s7 =	simm.s32 $0x2;
	s6 =	sadd.s32 $0x108000, s6  }
.LBB2_1:
0xc: {  	s11 =	sadd.s32 $0x0, s6  }
0xd: {  	[tilespmem:s3], [sflag:$0x2] =	stream.linear.gather [hbm4b:s11+s3], $0x100, $0x38;
	[tilespmem:$0x5100] =	vst v63  }
0xe: {  	_ =	swait.ge [sflag:s7], $0x100  }
0xf: {  	[sflag:s7] =	ssyncset.done $0x0  }
0x10: {  	[sflag:s7] =	ssyncadd.s32 $0xFFFFFF00  }
0x11: {  	[tilespmem:s8], [sflag:$0x1] =	stream.indirect.gather [hbm4b:s2+s8], $0x50, s3, s8, $0xb8;
	[tilespmem:$0x5100] =	vst v63  }
0x12: {  	_ =	swait.ge [sflag:s9], $0x5000  }
0x13: {  	[sflag:s9] =	ssyncset.done $0x0  }
0x14: {  	[sflag:s9] =	ssyncadd.s32 $0xFFFFB000  }
0x15: {  	[hbm4b:s5+s3] =	stream.linear.scatter [tilespmem:s8], [sflag:$0x2], $0x5000, $0x38;
	[tilespmem:$0x5100] =	vst v63  }
0x16: {  	s12 =	simm.s32 $0x20;
	_ =	swait.ge [sflag:s7], $0x5000  }
0x17: {  	s13 =	simm.s32 $0x40;
	s11 =	sadd.s32 $0xA00, s5;
	[sflag:s7] =	ssyncset.done $0x0  }
.LBB2_2:
0x18: {  	s14 =	sadd.s32 s12, s6  }
0x19: {  	[sflag:s7] =	ssyncadd.s32 $0xFFFFB000;
	s12 =	smov.u32 s13;
	s15 =	sadd.s32 $0x20, s13  }
0x1a: {  	[tilespmem:s3], [sflag:$0x2] =	stream.linear.gather [hbm4b:s14+s3], $0x100, $0x38;
	[tilespmem:$0x5100] =	vst v63  }
0x1b: {  	p0 =	sne.s32 s13, $0x160;
	_ =	swait.ge [sflag:s7], $0x100  }
0x1c: {  	[sflag:s7] =	ssyncset.done $0x0  }
0x1d: {  	[sflag:s7] =	ssyncadd.s32 $0xFFFFFF00  }
0x1e: {  	[tilespmem:s8], [sflag:$0x1] =	stream.indirect.gather [hbm4b:s2+s8], $0x50, s3, s8, $0xb8;
	[tilespmem:$0x5100] =	vst v63  }
0x1f: {  	_ =	swait.ge [sflag:s9], $0x5000  }
.Ltmp0:
0x20: {  	[sflag:s9] =	ssyncset.done $0x0;
	(pc) =	sbr.rel @p0 .LBB2_2-.Ltmp0, $4  }
0x21: {  	[sflag:s9] =	ssyncadd.s32 $0xFFFFB000  }
0x22: {  	[hbm4b:s11+s3] =	stream.linear.scatter [tilespmem:s8], [sflag:$0x2], $0x5000, $0x38;
	[tilespmem:$0x5100] =	vst v63  }
0x23: {  	_ =	swait.ge [sflag:s7], $0x5000  }
0x24: {  	s13 =	smov.u32 s15;
	s11 =	sadd.s32 $0xA00, s11;
	[sflag:s7] =	ssyncset.done $0x0  }
0x25: {  	s12 =	sadd.s32 s12, s6;
	[sflag:s7] =	ssyncadd.s32 $0xFFFFB000  }
0x26: {  	[tilespmem:s3], [sflag:$0x2] =	stream.linear.gather [hbm4b:s12+s3], $0x100, $0x38;
	[tilespmem:$0x5100] =	vst v63  }
0x27: {  	_ =	swait.ge [sflag:s7], $0x100  }
0x28: {  	[sflag:s7] =	ssyncset.done $0x0  }
0x29: {  	[sflag:s7] =	ssyncadd.s32 $0xFFFFFF00  }
0x2a: {  	[tilespmem:s8], [sflag:$0x1] =	stream.indirect.gather [hbm4b:s2+s8], $0x50, s3, s8, $0xb8;
	[tilespmem:$0x5100] =	vst v63  }
0x2b: {  	s10 =	sadd.s32 $0x1, s10;
	_ =	swait.ge [sflag:s9], $0x5000  }
0x2c: {  	p0 =	sne.s32 s10, s4;
	[sflag:s9] =	ssyncset.done $0x0  }
.Ltmp1:
0x2d: {  	[sflag:s9] =	ssyncadd.s32 $0xFFFFB000;
	(pc) =	sbr.rel @p0 .LBB2_1-.Ltmp1, $4  }
0x2e: {  	[hbm4b:s11+s3] =	stream.linear.scatter [tilespmem:s8], [sflag:$0x2], $0x5000, $0x38;
	[tilespmem:$0x5100] =	vst v63  }
0x2f: {  	_ =	swait.ge [sflag:s7], $0x5000  }
0x30: {  	[sflag:s7] =	ssyncset.done $0x0  }
0x31: {  	[sflag:s7] =	ssyncadd.s32 $0xFFFFB000  }
0x32: {  	_ =	sfence.sel $0x180000  }
0x33: {  	[bflag:$0x0] =	sbarrier.arrive $0xFFFF  }
0x34: {  	p0 =	sne.s32 s1, $0x0;
	_ =	strace $0x90000050  }
0x35: {  	s0 =	sadd.s32 @!p0 $0x100000, s0;
	[bflag:$0x2] =	sbarrier.arrive $0xFFFF  }
0x36: {  	[sflag:s0] =	ssyncadd.tile.s32 @!p0 $0x1;
	_ =	shalt  }
.Lfunc_end2:
_tile_overlayer_lowered:
.L_overlay_start_2:
0x37: {  	(tag) =	ssettag $0x2  }
0x38: {  	s0 =	rddreg [dreg:$0x0];
	s2 =	stileid.u32  }
0x39: {  	s1 =	rddreg [dreg:$0x1];
	p0 =	sne.s32 s2, $0x0  }
0x3a: {  	s3 =	rddreg [dreg:$0x2];
	[bflag:$0x3] =	sbarrier.arrive $0xFFFF;
	s2 =	simm.s32 @!p0 $0x1C02  }
0x3b: {  	[timem:s3], [sflag:s2] =	dma.local @!p0 [hbm:s0], s1  }
0x3c: {  	s0 =	simm.s32 @!p0 $0x2  }
0x3d: {  	_ =	swait.ge @!p0 [sflag:s0], s1  }
0x3e: {  	s1 =	ssub.s32 @!p0 $0x0, s1;
	[sflag:s0] =	ssyncset.done @!p0 $0x0  }
0x3f: {  	[sflag:s0] =	ssyncadd.s32 @!p0 s1  }
0x40: {  	[bflag:$0x3] =	sbarrier.arrive $0xFFFF  }
0x41: {  	_ =	shalt  }

// kernel: sparse-core-data-format-call.1.cloned.1.call-start
scs
called_computation.1_lowered:
.L_overlay_start_0:
0x0: {  	s2 =	sld [smem:$0x3FD9]  }
0x1: {  	s3 =	sld [smem:$0x3FFE];
	_ =	sdelay $0x1  }
0x2: {  	s1 =	srdreg.scid  }
0x3: {  	s0 =	sand.u32 $0x1, s1  }
0x4: {  	s18 =	sshll.u32 s0, $0xA;
	s2 =	sadd.s32 s3, s2  }
0x5: {  	s2 =	sadd.s32 s2, s18  }
0x6: {  	[smem:$0x3F9F] =	sst s2  }
0x7: {  	_ = 	snop  }
0x8: {  	(tm) =	ssettm $0x1  }
0x9: {  	s19 =	sld [smem:$0x3FFB];
	_ =	sdelay $0x3  }
0xa: {  	_ =	strace s19  }
0xb: {  	s2 =	sld [smem:$0x3FFC];
	_ =	sdelay $0x3  }
0xc: {  	_ =	strace s2  }
0xd: {  	s2 =	sld [smem:$0x3FFD];
	_ =	sdelay $0x3  }
0xe: {  	_ =	strace s2  }
0xf: {  	_ =	strace $0x8FFFFFFF  }
0x10: {  	s20 =	sld [smem:$0x3FDB];
	_ =	sdelay $0x1  }
0x11: {  	s21 =	simm.s32 $_scs_section_size  }
0x12: {  	s4 =	simm.s32 $_size__tile_overlayer_lowered;
	s5 =	simm.s32 $_tile_overlayer_lowered  }
0x13: {  	s6 =	simm.s32 $0x1BFF;
	s22 =	sshll.u32 s5, $0x1;
	s3 =	sadd.s32 s21, s20  }
0x14: {  	s23 =	simm.s32 $0x0;
	s4 =	sshll.u32 s4, $0x1;
	s5 =	sadd.s32 s22, s3  }
0x15: {  	[timem:s23], [sflag:s6] =	dma.local [hbm:s5], s4  }
0x16: {  	_ =	swait.ge [sflag:s6], s4  }
0x17: {  	s4 =	ssub.s32 $0x0, s4;
	[sflag:s6] =	ssyncset.done $0x0  }
0x18: {  	[sflag:s6] =	ssyncadd.s32 s4;
	_ =	sdelay $0x1  }
0x19: {  	s24 =	simm.s32 $0x1B8B  }
0x1a: {  	_ =	swait.ge [sflag:s24], $0x1  }
0x1b: {  	[sflag:s24] =	ssyncset.done $0x0  }
0x1c: {  	[sflag:s24] =	ssyncadd.s32 $0xFFFFFFFF  }
0x1d: {  	s4 =	sld [smem:$0x0]  }
0x1e: {  	s5 =	sand.u32 $0xFFFFFFFE, s1  }
0x1f: {  	p0 =	sne.s32 s1, s5  }
0x20: {  	s5 =	sshll.u32 @p0 s5, $0xE  }
0x21: {  	s5 =	sadd.s32 @p0 $0x11B8D, s5;
	s6 =	sshll.u32 @p0 s4, $0x11  }
0x22: {  	s5 =	sor.u32 @p0 s6, s5  }
0x23: {  	[sflag:s5] =	ssyncadd.remote.s32 @p0 $0x1;
	_ =	sdelay $0x1  }
0x24: {  	s5 =	simm.s32 @p0 $0x1B8D  }
0x25: {  	_ =	swait.eq @p0 [sflag:s5], $0x1  }
0x26: {  	[sflag:s5] =	ssyncadd.s32 @p0 $0xFFFFFFFF  }
0x27: {  	s6 =	sshll.u32 @!p0 s1, $0xE  }
0x28: {  	s6 =	sor.u32 @!p0 $0x4000, s6;
	s5 =	simm.s32 @!p0 $0x1B8D  }
0x29: {  	s4 =	sshll.u32 @!p0 s4, $0x11;
	s6 =	sadd.s32 @!p0 $0x11B8D, s6;
	_ =	swait.eq @!p0 [sflag:s5], $0x1  }
0x2a: {  	s4 =	sor.u32 @!p0 s4, s6;
	[sflag:s5] =	ssyncadd.s32 @!p0 $0xFFFFFFFF  }
0x2b: {  	s26 =	simm.s32 $0x1B8E;
	s25 =	sld [smem:$0x3FFE];
	[sflag:s4] =	ssyncadd.remote.s32 @!p0 $0x1  }
0x2c: {  	s27 =	simm.s32 $execute0_lowered;
	[smem:$0x3FD2] =	sst s26  }
0x2d: {  	s5 =	sshll.u32 s27, $0x1;
	_ =	strace $0x80000061;
	[dreg:$0x1] =	wrdreg $0xFFFFFFFF  }
0x2e: {  	s28 =	simm.s32 $_size_execute0_lowered;
	s3 =	sadd.s32 s3, s5;
	[dreg:$0x0] =	wrdreg $0x0  }
0x2f: {  	s5 =	sshll.u32 s28, $0x1;
	[dreg:$0x2] =	wrdreg s3  }
0x30: {  	[dreg:$0x3] =	wrdreg s5  }
0x31: {  	[dreg:$0x4] =	wrdreg $0xC0  }
0x32: {  	_ =	task [dreg:s23], $0x5FFFF  }
0x33: {  	[dreg:$0x1] =	wrdreg $0xFFFFFFFF  }
0x34: {  	[dreg:$0x0] =	wrdreg $0x60  }
0x35: {  	[dreg:$0x2] =	wrdreg s25  }
0x36: {  	[dreg:$0x3] =	wrdreg $0xA  }
0x37: {  	_ =	task.clear_ibuf [dreg:s23], $0x4FFFF;
	_ =	strace $0x90000061  }
0x38: {  	s29 =	simm.s32 $0xA;
	_ =	strace $0x80000063  }
0x39: {  	_ =	swait.ge [sflag:s29], $0x1  }
0x3a: {  	[sflag:s29] =	ssyncadd.s32 $0xFFFFFFFF  }
0x3b: {  	_ =	strace $0x90000063  }
0x3c: {  	_ =	sfence  }
0x3d: {  	s30 =	sld [smem:$0x0];
	_ =	sdelay $0x2  }
0x3e: {  	s31 =	sshll.u32 s1, $0xD;
	s1 =	sshrl.u32 s1, $0x2  }
0x3f: {  	s4 =	sand.u32 $0x4000, s31;
	s1 =	sadd.s32 s1, s30  }
0x40: {  	s0 =	sor.u32 s4, s0;
	s1 =	sshll.u32 s1, $0x11  }
0x41: {  	s0 =	sor.u32 s1, s0  }
0x42: {  	s0 =	sadd.s32 $0x8F2B, s0  }
0x43: {  	[sflag:s0] =	ssyncadd.remote.s32 $0x1  }
0x44: {  	_ =	sfence.sel $0xFFFF  }
0x45: {  	[dreg:$0x0] =	wrdreg $0xFFFFFFFF;
	(pc) =	sbr.abs _section_cstart, $3  }
0x46: {  	[dreg:$0x1] =	wrdreg $0xFFFFFFFF  }
0x47: {  	_ =	task.clear_ibuf [dreg:s23], $0x2FFFF;
	_ =	strace $0x9FFFFFFF  }
0x48: {  	(tm) =	ssettm $0x7FFFFFFF  }
0x49: {  	_ =	shalt  }
tec
execute0_lowered:
.L_overlay_start_1:
0x0: {  	(tag) =	ssettag $0x1  }
0x1: {  	s0 =	stileid.u32  }
0x2: {  	s1 =	srdreg.scid;
	s7 =	rddreg [dreg:$0x0];
	s31 =	simm.s32 $0x2  }
0x3: {  	s15 =	simm.s32 $0x0;
	s9 =	simm.s32 $0x60000;
	s16 =	simm.s32 $0x0  }
0x4: {  	s14 =	simm.s32 $0x0;
	s2 =	sshll.u32 s0, $0x6;
	s1 =	sshll.u32 s1, $0xA  }
0x5: {  	s10 =	simm.s32 $0x0;
	s1 =	sor.u32 s2, s1;
	s2 =	sand.u32 $0x1, s0  }
0x6: {  	s13 =	simm.s32 $0x0;
	s3 =	sand.u32 $0x780, s1;
	s4 =	ssub.s32 $0x2, s2  }
0x7: {  	s1 =	rddreg [dreg:$0x1];
	s5 =	ssub.s32 $0xC000, s3;
	s8 =	sshll.u32 s4, $0x1  }
0x8: {  	_ =	strace $0x80000062;
	s6 =	sand.u32 $0x780, s5;
	s8 =	sand.u32 $0x2, s8  }
0x9: {  	s5 =	sshrl.u32 s5, $0xB;
	p0 =	sne.s32 s6, $0x0;
	s6 =	simm.s32 $0x1  }
.Ltmp0:
0xa: {  	s4 =	sadd.s32 s8, s4;
	s6 =	simm.s32 @!p0 $0x0;
	(pc) =	sbr.rel .LBB1_1-.Ltmp0, $4  }
0xb: {  	s12 =	smov.u32 s2;
	s8 =	sand.u32 $0x6, s4;
	s6 =	sadd.s32 s6, s5  }
0xc: {  	s11 =	smov.u32 s3;
	s5 =	simm.s32 $0x1;
	s6 =	smul.u32 s6, s8  }
0xd: {  	s4 =	sadd.s32 $0x118000, s7;
	s7 =	sadd.s32 $0xC19800, s7;
	[sflag:s5] =	ssyncpa.u1 $0x0  }
0xe: {  	p0 =	por $0x0, $0x0;
	[sflag:s31] =	ssyncpa.u1 $0x0;
	s8 =	sor.u32 $0x1, s6  }
.LBB1_4:
0xf: {  	s22 =	sshrl.u32 s15, $0x3  }
0x10: {  	s23 =	sshll.u32 s16, $0x3;
	s31 =	sshll.u32 s15, $0x7;
	s22 =	smul.u32 $0x60000, s22  }
0x11: {  	v5 =	vld [tilespmem:s20+$0xFFFFFFD0];
	[tilespmem:s19+$0x2040 ss:$0x81] =	vst.msk $0xffff, v4;
	s24 =	sand.u32 $0x7F, s16;
	s23 =	sand.u32 $0xFFFFFC00, s23;
	s15 =	sand.u32 $0x380, s31  }
0x12: {  	v58 =	vld [tilespmem:s20+$0xFFFFFFE0];
	[tilespmem:s19+$0x2850 ss:$0x81] =	vst.msk $0xffff, v2;
	s15 =	sor.u32 s24, s15;
	s22 =	sadd.s32 s23, s22  }
0x13: {  	s25 =	sshra.s32 s21, $0x2;
	v59 =	vld [tilespmem:s20+$0xFFFFFFF0];
	[tilespmem:s19+$0x3060 ss:$0x81] =	vst.msk $0xffff, v3;
	s15 =	sor.u32 s22, s15  }
0x14: {  	v60 =	vld [tilespmem:s20+$0x0];
	[tilespmem:s19+$0x0 ss:$0x81] =	vst.msk $0xffff, v0;
	s16 =	sadd.s32 s25, s18;
	s26 =	smulhi.u32 $0xAAAAAAAB, s15  }
0x15: {  	v61 =	vld [tilespmem:s20+$0x10];
	[tilespmem:s16+$0x3870 ss:$0x81] =	vst.msk $0xffff, v1;
	s27 =	smulhi.u32 $0xAAAAAAAB, s22  }
0x16: {  	v62 =	vld [tilespmem:s20+$0x20];
	[tilespmem:s16+$0x810 ss:$0x81] =	vst.msk $0xffff, v5;
	s18 =	sshrl.u32 s26, $0xF  }
0x17: {  	v63 =	vld [tilespmem:s20+$0xFFFFFFC0];
	[tilespmem:s16+$0x1020 ss:$0x81] =	vst.msk $0xffff, v58;
	s19 =	sshrl.u32 s27, $0xF;
	s18 =	smul.u32 $0xC000, s18  }
0x18: {  	s14 =	smul.u32 $0x180000, s14;
	[tilespmem:s16+$0x1830 ss:$0x81] =	vst.msk $0xffff, v59;
	s19 =	sand.u32 $0xFF, s19  }
0x19: {  	[tilespmem:s16+$0x2040 ss:$0x81] =	vst.msk $0xffff, v60;
	s28 =	smul.u32 $0x1800, s19;
	s15 =	ssub.s32 s15, s18  }
0x1a: {  	s14 =	sadd.s32 s7, s14;
	[tilespmem:s16+$0x2850 ss:$0x81] =	vst.msk $0xffff, v61;
	s29 =	sand.u32 $0x7, s15  }
0x1b: {  	[tilespmem:s16+$0x3060 ss:$0x81] =	vst.msk $0xffff, v62;
	s14 =	sadd.s32 s28, s14;
	s15 =	sshrl.u32 s15, $0x3;
	s30 =	sshll.u32 s29, $0x12  }
0x1c: {  	[tilespmem:s16+$0x0 ss:$0x81] =	vst.msk $0xffff, v63;
	s14 =	sadd.s32 s15, s14;
	s31 =	sor.u32 $0x400, s30  }
0x1d: {  	[hbm4b:s14+s31] =	stream.strided.scatter [tilespmem:s17], [sflag:$0x2], $0x4000, s9, s31, $0x20;
	[tilespmem:$0x10100] =	vst v63  }
.LBB1_5:
0x1e: {  	s17 =	sadd.s32 $0x80, s10  }
0x1f: {  	s14 =	sadd.s32 $0x800, s11;
	s18 =	smov.u32 s11;
	p2 =	sgt.s32 s17, $0xFF  }
0x20: {  	s18 =	smov.u32 @p2 s14  }
0x21: {  	s20 =	smov.u32 s12;
	s14 =	sadd.s32 $0x2, s12;
	p3 =	sgt.s32 s18, $0xBFFF  }
0x22: {  	s20 =	smov.u32 @p3 s14  }
0x23: {  	s17 =	simm.s32 @p2 $0x0;
	p2 =	sgt.s32 s20, $0x1  }
0x24: {  	p1 =	slt.u32 s13, $0x2;
	s20 =	smov.u32 @p2 s2;
	p2 =	sne.s32 s13, s8  }
.Ltmp1:
0x25: {  	s19 =	simm.s32 @!p1 $0x2;
	(pc) =	sbr.rel @!p2 .LBB1_6-.Ltmp1, $4  }
0x26: {  	s15 =	smov.u32 s10;
	s16 =	smov.u32 s11;
	_ =	swait.ge @!p1 [sflag:s19], $0x4000  }
0x27: {  	p0 =	por !p0, !p0;
	[sflag:s19] =	ssyncset.done @!p1 $0x0;
	s10 =	smov.u32 s17  }
0x28: {  	s18 =	smov.u32 @p3 s3;
	s14 =	smov.u32 s12;
	[sflag:s19] =	ssyncadd.s32 @!p1 $0xFFFFC000  }
0x29: {  	s11 =	smov.u32 s18;
	s13 =	sadd.s32 $0x1, s13;
	s12 =	smov.u32 s20  }
.LBB1_1:
0x2a: {  	p1 =	sge.u32 s13, s6  }
0x2b: {  	s17 =	sshll.u32 @!p1 s11, $0x8;
	s18 =	sshll.u32 @!p1 s10, $0x3  }
0x2c: {  	s19 =	sshll.u32 @!p1 s11, $0x7;
	s17 =	sand.u32 @!p1 $0xFFFFF800, s17;
	s18 =	sand.u32 @!p1 $0xFFFFFC00, s18  }
0x2d: {  	s17 =	sadd.s32 @!p1 s17, s18;
	s18 =	sand.u32 @!p1 $0x300, s19  }
0x2e: {  	s17 =	sor.u32 @!p1 s18, s17  }
0x2f: {  	s17 =	sshrl.u32 @!p1 s17, $0x8  }
0x30: {  	s18 =	smulhi.u32 @!p1 $0xAAAAAB, s17  }
0x31: {  	s31 =	sadd.s32 $0xFFFFFFFF, s13;
	s20 =	sxor.u32 @!p1 $0xFFFFFFFF, s13  }
0x32: {  	s21 =	sand.u32 @!p1 $0x78, s10;
	s22 =	smul.u32 @!p1 $0x180000, s12;
	s18 =	sshrl.u32 @!p1 s18, $0x7  }
0x33: {  	s20 =	sshll.u32 @!p1 s20, $0xE;
	s19 =	sand.u32 @!p1 $0x80, s19;
	s18 =	smul.u32 @!p1 $0xC000, s18  }
0x34: {  	s20 =	sand.u32 @!p1 $0x4000, s20;
	s19 =	sor.u32 @!p1 s21, s19;
	s21 =	sand.u32 @!p1 $0x7, s10  }
0x35: {  	s17 =	ssub.s32 @!p1 s17, s18;
	s18 =	sshrl.u32 @!p1 s19, $0x3;
	s19 =	sadd.s32 @!p1 s4, s22  }
0x36: {  	s17 =	sshll.u32 @!p1 s17, $0x5;
	s18 =	sadd.s32 @!p1 s18, s19;
	s19 =	sshll.u32 @!p1 s21, $0x12  }
0x37: {  	s17 =	sadd.s32 @!p1 s17, s18;
	s18 =	sor.u32 @!p1 $0x400, s19;
	s19 =	simm.s32 @!p1 $0x800  }
0x38: {  	[tilespmem:s20], [sflag:$0x1] =	stream.strided.gather @!p1 [hbm4b:s17+s18], $0x4000, s19, s18, $0x38;
	[tilespmem:$0x10100] =	vst v63  }
0x39: {  	p1 =	sge.u32 s31, s6  }
.Ltmp2:
0x3a: {  	_ = 	snop;
	(pc) =	sbr.rel @p1 .LBB1_5-.Ltmp2, $1  }
0x3b: {  	_ =	sdelay $0x3  }
0x3c: {  	s17 =	simm.s32 $0x1  }
0x3d: {  	_ =	swait.ge [sflag:s5], $0x4000;
	s17 =	simm.s32 @!p0 $0x0  }
0x3e: {  	[sflag:s5] =	ssyncset.done $0x0;
	s18 =	sshll.u32 s17, $0xE  }
0x3f: {  	[sflag:s5] =	ssyncadd.s32 $0xFFFFC000;
	s20 =	sor.u32 $0x40, s18  }
0x40: {  	s17 =	smul.u32 $0x10200, s17;
	v0 =	vld [tilespmem:s20+$0x30]  }
0x41: {  	v1 =	vld [tilespmem:s20+$0xFFFFFFD0]  }
0x42: {  	s17 =	sshrl.u32 s17, $0x2;
	v5 =	vld [tilespmem:s20+$0xFFFFFFE0]  }
0x43: {  	v6 =	vld [tilespmem:s20+$0xFFFFFFF0];
	s18 =	sor.u32 $0x8000, s17  }
0x44: {  	s31 =	sand.u32 $0x1, s13;
	v4 =	vld [tilespmem:s20+$0x0];
	s19 =	sadd.s32 $0x0, s18  }
0x45: {  	v2 =	vld [tilespmem:s20+$0x10];
	s17 =	smul.u32 $0x10200, s31;
	[tilespmem:s19+$0x3870 ss:$0x81] =	vst.msk $0xffff, v0  }
0x46: {  	v3 =	vld [tilespmem:s20+$0x20];
	[tilespmem:s19+$0x810 ss:$0x81] =	vst.msk $0xffff, v1  }
0x47: {  	s17 =	sshrl.u32 s17, $0x2;
	v0 =	vld [tilespmem:s20+$0xFFFFFFC0];
	[tilespmem:s19+$0x1020 ss:$0x81] =	vst.msk $0xffff, v5;
	s20 =	sadd.s32 $0x80, s20  }
0x48: {  	s21 =	simm.s32 $0x4;
	s22 =	simm.s32 $0x8;
	s17 =	sor.u32 $0x8000, s17;
	[tilespmem:s19+$0x1830 ss:$0x81] =	vst.msk $0xffff, v6;
	v1 =	vld [tilespmem:s20+$0x30]  }
.LBB1_3:
0x49: {  	p1 =	sne.s32 s22, $0x1FC;
	v5 =	vld [tilespmem:s20+$0xFFFFFFD0];
	[tilespmem:s19+$0x2040 ss:$0x81] =	vst.msk $0xffff, v4  }
0x4a: {  	v6 =	vld [tilespmem:s20+$0xFFFFFFE0];
	[tilespmem:s19+$0x2850 ss:$0x81] =	vst.msk $0xffff, v2  }
0x4b: {  	s23 =	sshra.s32 s21, $0x2;
	s21 =	smov.u32 s22;
	v7 =	vld [tilespmem:s20+$0xFFFFFFF0];
	[tilespmem:s19+$0x3060 ss:$0x81] =	vst.msk $0xffff, v3  }
.Ltmp3:
0x4c: {  	v4 =	vld [tilespmem:s20+$0x0];
	[tilespmem:s19+$0x0 ss:$0x81] =	vst.msk $0xffff, v0;
	s19 =	sadd.s32 s23, s18;
	(pc) =	sbr.rel @p1 .LBB1_3-.Ltmp3, $4  }
0x4d: {  	v2 =	vld [tilespmem:s20+$0x10];
	[tilespmem:s19+$0x3870 ss:$0x81] =	vst.msk $0xffff, v1  }
0x4e: {  	[tilespmem:s19+$0x810 ss:$0x81] =	vst.msk $0xffff, v5;
	v3 =	vld [tilespmem:s20+$0x20]  }
0x4f: {  	v0 =	vld [tilespmem:s20+$0xFFFFFFC0];
	[tilespmem:s19+$0x1020 ss:$0x81] =	vst.msk $0xffff, v6;
	s20 =	sadd.s32 $0x80, s20  }
0x50: {  	s22 =	sadd.s32 $0x4, s22;
	v1 =	vld [tilespmem:s20+$0x30];
	[tilespmem:s19+$0x1830 ss:$0x81] =	vst.msk $0xffff, v7  }
.Ltmp4:
0x51: {  	_ = 	snop;
	(pc) =	sbr.rel .LBB1_4-.Ltmp4, $1  }
0x52: {  	_ =	sdelay $0x3  }
.LBB1_6:
0x53: {  	_ =	sfence.sel $0x180000  }
0x54: {  	s2 =	simm.s32 $0x1;
	[bflag:$0x0] =	sbarrier.arrive $0xFFFF  }
0x55: {  	s31 =	simm.s32 $0x2;
	[sflag:s2] =	ssyncpa.u1 $0x1  }
0x56: {  	[sflag:s31] =	ssyncpa.u1 $0x1  }
0x57: {  	p0 =	sne.s32 s0, $0x0;
	_ =	strace $0x90000062  }
0x58: {  	s0 =	sadd.s32 @!p0 $0x100000, s1;
	[bflag:$0x2] =	sbarrier.arrive $0xFFFF  }
0x59: {  	[sflag:s0] =	ssyncadd.tile.s32 @!p0 $0x1;
	_ =	shalt  }
.Lfunc_end1:
_tile_overlayer_lowered:
.L_overlay_start_2:
0x5a: {  	(tag) =	ssettag $0x2  }
0x5b: {  	s0 =	rddreg [dreg:$0x0];
	s2 =	stileid.u32  }
0x5c: {  	s1 =	rddreg [dreg:$0x1];
	p0 =	sne.s32 s2, $0x0  }
0x5d: {  	s3 =	rddreg [dreg:$0x2];
	[bflag:$0x3] =	sbarrier.arrive $0xFFFF;
	s2 =	simm.s32 @!p0 $0x1C01  }
0x5e: {  	[timem:s3], [sflag:s2] =	dma.local @!p0 [hbm:s0], s1  }
0x5f: {  	s0 =	simm.s32 @!p0 $0x1  }
0x60: {  	_ =	swait.ge @!p0 [sflag:s0], s1  }
0x61: {  	s1 =	ssub.s32 @!p0 $0x0, s1;
	[sflag:s0] =	ssyncset.done @!p0 $0x0  }
0x62: {  	[sflag:s0] =	ssyncadd.s32 @!p0 s1  }
0x63: {  	[bflag:$0x3] =	sbarrier.arrive $0xFFFF  }
0x64: {  	_ =	shalt  }

// kernel: sparse-core-data-format-call.2.cloned.1.call-start
scs
called_computation.2_lowered:
.L_overlay_start_0:
0x0: {  	s1 =	sld [smem:$0x3FD9]  }
0x1: {  	s2 =	sld [smem:$0x3FFE];
	_ =	sdelay $0x1  }
0x2: {  	s3 =	srdreg.scid  }
0x3: {  	s0 =	sand.u32 $0x1, s3  }
0x4: {  	s17 =	sshll.u32 s0, $0xA;
	s1 =	sadd.s32 s2, s1  }
0x5: {  	s1 =	sadd.s32 s1, s17  }
0x6: {  	[smem:$0x3F9F] =	sst s1  }
0x7: {  	_ = 	snop  }
0x8: {  	(tm) =	ssettm $0x1  }
0x9: {  	s18 =	sld [smem:$0x3FFB];
	_ =	sdelay $0x3  }
0xa: {  	_ =	strace s18  }
0xb: {  	s1 =	sld [smem:$0x3FFC];
	_ =	sdelay $0x3  }
0xc: {  	_ =	strace s1  }
0xd: {  	s1 =	sld [smem:$0x3FFD];
	_ =	sdelay $0x3  }
0xe: {  	_ =	strace s1  }
0xf: {  	_ =	strace $0x8FFFFFFF  }
0x10: {  	s19 =	sld [smem:$0x3FDB];
	_ =	sdelay $0x1  }
0x11: {  	s20 =	simm.s32 $_scs_section_size  }
0x12: {  	s4 =	simm.s32 $_size__tile_overlayer_lowered;
	s5 =	simm.s32 $_tile_overlayer_lowered  }
0x13: {  	s23 =	simm.s32 $0x1BFF;
	s22 =	sshll.u32 s5, $0x1;
	s1 =	sadd.s32 s20, s19  }
0x14: {  	s6 =	simm.s32 $0x0;
	s21 =	sshll.u32 s4, $0x1;
	s4 =	sadd.s32 s22, s1  }
0x15: {  	[timem:s6], [sflag:s23] =	dma.local [hbm:s4], s21  }
0x16: {  	_ =	swait.ge [sflag:s23], s21  }
0x17: {  	s2 =	ssub.s32 $0x0, s21;
	[sflag:s23] =	ssyncset.done $0x0  }
0x18: {  	[sflag:s23] =	ssyncadd.s32 s2;
	_ =	sdelay $0x1  }
0x19: {  	s24 =	simm.s32 $0x1B8B  }
0x1a: {  	_ =	swait.ge [sflag:s24], $0x1  }
0x1b: {  	[sflag:s24] =	ssyncset.done $0x0  }
0x1c: {  	s26 =	simm.s32 $0x1B8E;
	s25 =	sld [smem:$0x3FFE];
	[sflag:s24] =	ssyncadd.s32 $0xFFFFFFFF  }
0x1d: {  	s27 =	simm.s32 $execute0_lowered;
	[smem:$0x3FD2] =	sst s26  }
0x1e: {  	s4 =	sshll.u32 s27, $0x1;
	_ =	strace $0x80000058;
	[dreg:$0x1] =	wrdreg $0xFFFFFFFF  }
0x1f: {  	s28 =	simm.s32 $_size_execute0_lowered;
	s1 =	sadd.s32 s1, s4;
	[dreg:$0x0] =	wrdreg $0x0  }
0x20: {  	s4 =	sshll.u32 s28, $0x1;
	[dreg:$0x2] =	wrdreg s1  }
0x21: {  	[dreg:$0x3] =	wrdreg s4  }
0x22: {  	[dreg:$0x4] =	wrdreg $0xC0  }
0x23: {  	_ =	task [dreg:s6], $0x5FFFF  }
0x24: {  	[dreg:$0x1] =	wrdreg $0xFFFFFFFF  }
0x25: {  	[dreg:$0x0] =	wrdreg $0x60  }
0x26: {  	[dreg:$0x2] =	wrdreg s25  }
0x27: {  	[dreg:$0x3] =	wrdreg $0x9  }
0x28: {  	_ =	task.clear_ibuf [dreg:s6], $0x4FFFF;
	_ =	strace $0x90000058  }
0x29: {  	s29 =	simm.s32 $0x9;
	_ =	strace $0x8000005A  }
0x2a: {  	_ =	swait.ge [sflag:s29], $0x1  }
0x2b: {  	[sflag:s29] =	ssyncadd.s32 $0xFFFFFFFF  }
0x2c: {  	_ =	strace $0x9000005A  }
0x2d: {  	_ =	sfence  }
0x2e: {  	s30 =	sld [smem:$0x0];
	_ =	sdelay $0x2  }
0x2f: {  	s31 =	sshll.u32 s3, $0xD;
	s3 =	sshrl.u32 s3, $0x2  }
0x30: {  	s2 =	sand.u32 $0x4000, s31;
	s1 =	sadd.s32 s3, s30  }
0x31: {  	s0 =	sor.u32 s2, s0;
	s1 =	sshll.u32 s1, $0x11  }
0x32: {  	s0 =	sor.u32 s1, s0  }
0x33: {  	s0 =	sadd.s32 $0x8F2B, s0  }
0x34: {  	[sflag:s0] =	ssyncadd.remote.s32 $0x1  }
0x35: {  	_ =	sfence.sel $0xFFFF  }
0x36: {  	[dreg:$0x0] =	wrdreg $0xFFFFFFFF;
	(pc) =	sbr.abs _section_cstart, $3  }
0x37: {  	[dreg:$0x1] =	wrdreg $0xFFFFFFFF  }
0x38: {  	_ =	task.clear_ibuf [dreg:s6], $0x2FFFF;
	_ =	strace $0x9FFFFFFF  }
0x39: {  	(tm) =	ssettm $0x7FFFFFFF  }
tec
execute0_lowered:
.L_overlay_start_1:
0x0: {  	(tag) =	ssettag $0x1  }
0x1: {  	s0 =	stileid.u32  }
0x2: {  	s1 =	srdreg.scid;
	s5 =	rddreg [dreg:$0x0];
	s31 =	simm.s32 $0x2  }
0x3: {  	s16 =	simm.s32 $0x0;
	s2 =	sshll.u32 s0, $0x6;
	s1 =	sshll.u32 s1, $0xA  }
0x4: {  	s9 =	simm.s32 $0x4000;
	s14 =	simm.s32 $0x0;
	s1 =	sor.u32 s2, s1  }
0x5: {  	s15 =	simm.s32 $0x0;
	s10 =	simm.s32 $0x0;
	s1 =	sand.u32 $0x780, s1  }
0x6: {  	s13 =	simm.s32 $0x0;
	s2 =	sand.u32 $0x1, s0;
	s3 =	ssub.s32 $0x800, s1  }
0x7: {  	s4 =	ssub.s32 $0x2, s2;
	s12 =	smov.u32 s2;
	s6 =	sand.u32 $0x780, s3  }
0x8: {  	s7 =	sshrl.u32 s4, $0x1;
	p0 =	sne.s32 s6, $0x0;
	s6 =	simm.s32 $0x1  }
0x9: {  	s4 =	sand.u32 $0x1, s4;
	s8 =	sshrl.u32 s3, $0xB;
	s6 =	simm.s32 @!p0 $0x0  }
.Ltmp0:
0xa: {  	s4 =	sadd.s32 s4, s7;
	s6 =	sadd.s32 s6, s8;
	(pc) =	sbr.rel .LBB1_1-.Ltmp0, $4  }
0xb: {  	s11 =	smov.u32 s1;
	s3 =	rddreg [dreg:$0x1];
	s7 =	smul.u32 s6, s4  }
0xc: {  	_ =	strace $0x80000059;
	p0 =	por $0x0, $0x0;
	s6 =	simm.s32 $0x1  }
0xd: {  	s4 =	sadd.s32 $0x223000, s5;
	[sflag:s6] =	ssyncpa.u1 $0x0;
	s7 =	sshll.u32 s7, $0x4  }
0xe: {  	s5 =	sadd.s32 $0x323000, s5;
	[sflag:s31] =	ssyncpa.u1 $0x0;
	s8 =	sor.u32 $0x1, s7  }
.LBB1_4:
0xf: {  	v5 =	vld [tilespmem:s19+$0xFFFFFFD0]  }
0x10: {  	[tilespmem:s20+$0x2040 ss:$0x81] =	vst.msk $0xffff, v1;
	v58 =	vld [tilespmem:s19+$0xFFFFFFE0]  }
0x11: {  	[tilespmem:s20+$0x2850 ss:$0x81] =	vst.msk $0xffff, v2;
	v59 =	vld [tilespmem:s19+$0xFFFFFFF0]  }
0x12: {  	s21 =	sshra.s32 s21, $0x2;
	[tilespmem:s20+$0x3060 ss:$0x81] =	vst.msk $0xffff, v3;
	v60 =	vld [tilespmem:s19+$0x0]  }
0x13: {  	[tilespmem:s20+$0x0 ss:$0x81] =	vst.msk $0xffff, v0;
	v61 =	vld [tilespmem:s19+$0x10];
	s18 =	sadd.s32 s21, s18  }
0x14: {  	s26 =	sshll.u32 s16, $0xB;
	v62 =	vld [tilespmem:s19+$0x20];
	[tilespmem:s18+$0x3870 ss:$0x81] =	vst.msk $0xffff, v4  }
0x15: {  	s27 =	sand.u32 $0x78, s14;
	s22 =	sshll.u32 s14, $0x3;
	v63 =	vld [tilespmem:s19+$0xFFFFFFC0];
	s29 =	sshll.u32 s16, $0x7;
	[tilespmem:s18+$0x810 ss:$0x81] =	vst.msk $0xffff, v5  }
0x16: {  	s15 =	sshll.u32 s15, $0x13;
	s20 =	sand.u32 $0x3FC000, s26;
	s28 =	sand.u32 $0x3FFC00, s22;
	[tilespmem:s18+$0x1020 ss:$0x81] =	vst.msk $0xffff, v58  }
0x17: {  	s31 =	sand.u32 $0x7, s14;
	s22 =	sand.u32 $0x400, s22;
	s19 =	sadd.s32 s28, s20;
	[tilespmem:s18+$0x1830 ss:$0x81] =	vst.msk $0xffff, v59  }
0x18: {  	s16 =	sand.u32 $0x380, s29;
	s30 =	sor.u32 s27, s22;
	s19 =	sshrl.u32 s19, $0x3;
	[tilespmem:s18+$0x2040 ss:$0x81] =	vst.msk $0xffff, v60  }
0x19: {  	s15 =	sadd.s32 s5, s15;
	s16 =	sor.u32 s16, s30;
	s19 =	sand.u32 $0x7FF00, s19;
	[tilespmem:s18+$0x2850 ss:$0x81] =	vst.msk $0xffff, v61  }
0x1a: {  	s14 =	sshll.u32 s31, $0x12;
	s16 =	sshrl.u32 s16, $0x3;
	[tilespmem:s18+$0x3060 ss:$0x81] =	vst.msk $0xffff, v62;
	s15 =	sadd.s32 s19, s15  }
0x1b: {  	s14 =	sor.u32 $0x400, s14;
	[tilespmem:s18+$0x0 ss:$0x81] =	vst.msk $0xffff, v63;
	s15 =	sadd.s32 s16, s15  }
0x1c: {  	[hbm4b:s15+s14] =	stream.strided.scatter [tilespmem:s17], [sflag:$0x2], $0x4000, s9, s14, $0x20;
	[tilespmem:$0x10100] =	vst v63  }
.LBB1_5:
0x1d: {  	s17 =	sadd.s32 $0x80, s10  }
0x1e: {  	s14 =	sadd.s32 $0x800, s11;
	s18 =	smov.u32 s11;
	p2 =	sgt.s32 s17, $0x7FF  }
0x1f: {  	s18 =	smov.u32 @p2 s14  }
0x20: {  	s20 =	smov.u32 s12;
	s14 =	sadd.s32 $0x2, s12;
	p3 =	sgt.s32 s18, $0x7FF  }
0x21: {  	s20 =	smov.u32 @p3 s14  }
0x22: {  	s17 =	simm.s32 @p2 $0x0;
	p2 =	sgt.s32 s20, $0x1  }
0x23: {  	p1 =	slt.u32 s13, $0x2;
	s20 =	smov.u32 @p2 s2;
	p2 =	sne.s32 s13, s8  }
.Ltmp1:
0x24: {  	s19 =	simm.s32 @!p1 $0x2;
	(pc) =	sbr.rel @!p2 .LBB1_6-.Ltmp1, $4  }
0x25: {  	s16 =	smov.u32 s10;
	s15 =	smov.u32 s12;
	_ =	swait.ge @!p1 [sflag:s19], $0x4000  }
0x26: {  	p0 =	por !p0, !p0;
	[sflag:s19] =	ssyncset.done @!p1 $0x0;
	s10 =	smov.u32 s17  }
0x27: {  	s18 =	smov.u32 @p3 s1;
	s14 =	smov.u32 s11;
	[sflag:s19] =	ssyncadd.s32 @!p1 $0xFFFFC000  }
0x28: {  	s11 =	smov.u32 s18;
	s13 =	sadd.s32 $0x1, s13;
	s12 =	smov.u32 s20  }
.LBB1_1:
0x29: {  	p1 =	sge.u32 s13, s7;
	s31 =	sadd.s32 $0xFFFFFFFF, s13  }
0x2a: {  	s17 =	sxor.u32 @!p1 $0xFFFFFFFF, s13;
	s18 =	sand.u32 @!p1 $0x78, s10;
	s19 =	sshll.u32 @!p1 s11, $0xB  }
0x2b: {  	s20 =	sshll.u32 @!p1 s11, $0x7;
	s21 =	sshll.u32 @!p1 s10, $0x3;
	s17 =	sshll.u32 @!p1 s17, $0xE  }
0x2c: {  	s19 =	sand.u32 @!p1 $0x3FC000, s19;
	s20 =	sand.u32 @!p1 $0x380, s20;
	s17 =	sand.u32 @!p1 $0x4000, s17  }
0x2d: {  	s19 =	sadd.s32 @!p1 s19, s21;
	s21 =	sand.u32 @!p1 $0x400, s21;
	s18 =	sor.u32 @!p1 s20, s18  }
0x2e: {  	s20 =	sshll.u32 @!p1 s12, $0x13;
	s18 =	sor.u32 @!p1 s21, s18;
	s19 =	sshrl.u32 @!p1 s19, $0x3  }
0x2f: {  	s20 =	sadd.s32 @!p1 s4, s20;
	s21 =	sand.u32 @!p1 $0x7, s10;
	s19 =	sand.u32 @!p1 $0x7FF00, s19  }
0x30: {  	s18 =	sshrl.u32 @!p1 s18, $0x3;
	s19 =	sadd.s32 @!p1 s19, s20;
	s20 =	sshll.u32 @!p1 s21, $0x12  }
0x31: {  	s18 =	sadd.s32 @!p1 s18, s19;
	s19 =	sor.u32 @!p1 $0x400, s20;
	s20 =	simm.s32 @!p1 $0x4000  }
0x32: {  	[tilespmem:s17], [sflag:$0x1] =	stream.strided.gather @!p1 [hbm4b:s18+s19], $0x4000, s20, s19, $0x38;
	[tilespmem:$0x10100] =	vst v63  }
0x33: {  	p1 =	sge.u32 s31, s7  }
.Ltmp2:
0x34: {  	_ = 	snop;
	(pc) =	sbr.rel @p1 .LBB1_5-.Ltmp2, $1  }
0x35: {  	_ =	sdelay $0x3  }
0x36: {  	s17 =	simm.s32 $0x1  }
0x37: {  	_ =	swait.ge [sflag:s6], $0x4000;
	s17 =	simm.s32 @!p0 $0x0  }
0x38: {  	[sflag:s6] =	ssyncset.done $0x0;
	s18 =	sshll.u32 s17, $0xE  }
0x39: {  	[sflag:s6] =	ssyncadd.s32 $0xFFFFC000;
	s19 =	sor.u32 $0x40, s18  }
0x3a: {  	s17 =	smul.u32 $0x10200, s17;
	v0 =	vld [tilespmem:s19+$0x30]  }
0x3b: {  	v3 =	vld [tilespmem:s19+$0xFFFFFFD0]  }
0x3c: {  	s17 =	sshrl.u32 s17, $0x2;
	v4 =	vld [tilespmem:s19+$0xFFFFFFE0]  }
0x3d: {  	v5 =	vld [tilespmem:s19+$0xFFFFFFF0];
	s18 =	sor.u32 $0x8000, s17  }
0x3e: {  	s31 =	sand.u32 $0x1, s13;
	v1 =	vld [tilespmem:s19+$0x0];
	s20 =	sadd.s32 $0x0, s18  }
0x3f: {  	v2 =	vld [tilespmem:s19+$0x10];
	s17 =	smul.u32 $0x10200, s31;
	[tilespmem:s20+$0x3870 ss:$0x81] =	vst.msk $0xffff, v0  }
0x40: {  	[tilespmem:s20+$0x810 ss:$0x81] =	vst.msk $0xffff, v3;
	v3 =	vld [tilespmem:s19+$0x20]  }
0x41: {  	s17 =	sshrl.u32 s17, $0x2;
	v0 =	vld [tilespmem:s19+$0xFFFFFFC0];
	[tilespmem:s20+$0x1020 ss:$0x81] =	vst.msk $0xffff, v4;
	s19 =	sadd.s32 $0x80, s19  }
0x42: {  	s21 =	simm.s32 $0x4;
	s22 =	simm.s32 $0x8;
	s17 =	sor.u32 $0x8000, s17;
	[tilespmem:s20+$0x1830 ss:$0x81] =	vst.msk $0xffff, v5;
	v4 =	vld [tilespmem:s19+$0x30]  }
.LBB1_3:
0x43: {  	p1 =	sne.s32 s22, $0x1FC;
	v5 =	vld [tilespmem:s19+$0xFFFFFFD0];
	[tilespmem:s20+$0x2040 ss:$0x81] =	vst.msk $0xffff, v1  }
0x44: {  	v6 =	vld [tilespmem:s19+$0xFFFFFFE0];
	[tilespmem:s20+$0x2850 ss:$0x81] =	vst.msk $0xffff, v2  }
0x45: {  	s23 =	sshra.s32 s21, $0x2;
	s21 =	smov.u32 s22;
	v7 =	vld [tilespmem:s19+$0xFFFFFFF0];
	[tilespmem:s20+$0x3060 ss:$0x81] =	vst.msk $0xffff, v3  }
.Ltmp3:
0x46: {  	v1 =	vld [tilespmem:s19+$0x0];
	[tilespmem:s20+$0x0 ss:$0x81] =	vst.msk $0xffff, v0;
	s20 =	sadd.s32 s23, s18;
	(pc) =	sbr.rel @p1 .LBB1_3-.Ltmp3, $4  }
0x47: {  	v2 =	vld [tilespmem:s19+$0x10];
	[tilespmem:s20+$0x3870 ss:$0x81] =	vst.msk $0xffff, v4  }
0x48: {  	[tilespmem:s20+$0x810 ss:$0x81] =	vst.msk $0xffff, v5;
	v3 =	vld [tilespmem:s19+$0x20]  }
0x49: {  	v0 =	vld [tilespmem:s19+$0xFFFFFFC0];
	[tilespmem:s20+$0x1020 ss:$0x81] =	vst.msk $0xffff, v6;
	s19 =	sadd.s32 $0x80, s19  }
0x4a: {  	s22 =	sadd.s32 $0x4, s22;
	v4 =	vld [tilespmem:s19+$0x30];
	[tilespmem:s20+$0x1830 ss:$0x81] =	vst.msk $0xffff, v7  }
.Ltmp4:
0x4b: {  	_ = 	snop;
	(pc) =	sbr.rel .LBB1_4-.Ltmp4, $1  }
0x4c: {  	_ =	sdelay $0x3  }
.LBB1_6:
0x4d: {  	_ =	sfence.sel $0x180000  }
0x4e: {  	s1 =	simm.s32 $0x1;
	[bflag:$0x0] =	sbarrier.arrive $0xFFFF  }
0x4f: {  	s31 =	simm.s32 $0x2;
	[sflag:s1] =	ssyncpa.u1 $0x1  }
0x50: {  	[sflag:s31] =	ssyncpa.u1 $0x1  }
0x51: {  	p0 =	sne.s32 s0, $0x0;
	_ =	strace $0x90000059  }
0x52: {  	s0 =	sadd.s32 @!p0 $0x100000, s3;
	[bflag:$0x2] =	sbarrier.arrive $0xFFFF  }
0x53: {  	[sflag:s0] =	ssyncadd.tile.s32 @!p0 $0x1;
	_ =	shalt  }
.Lfunc_end1:
_tile_overlayer_lowered:
.L_overlay_start_2:
0x54: {  	(tag) =	ssettag $0x2  }
0x55: {  	s0 =	rddreg [dreg:$0x0];
	s2 =	stileid.u32  }
0x56: {  	s1 =	rddreg [dreg:$0x1];
	p0 =	sne.s32 s2, $0x0  }
0x57: {  	s3 =	rddreg [dreg:$0x2];
	[bflag:$0x3] =	sbarrier.arrive $0xFFFF;
	s2 =	simm.s32 @!p0 $0x1C01  }
0x58: {  	[timem:s3], [sflag:s2] =	dma.local @!p0 [hbm:s0], s1  }
0x59: {  	s0 =	simm.s32 @!p0 $0x1  }
0x5a: {  	_ =	swait.ge @!p0 [sflag:s0], s1  }
0x5b: {  	s1 =	ssub.s32 @!p0 $0x0, s1;
	[sflag:s0] =	ssyncset.done @!p0 $0x0  }
0x5c: {  	[sflag:s0] =	ssyncadd.s32 @!p0 s1  }
0x5d: {  	[bflag:$0x3] =	sbarrier.arrive $0xFFFF  }
0x5e: {  	_ =	shalt  }

// kernel: sparse-core-data-format-call.3.cloned.1.call-start
scs
called_computation.3_lowered:
.L_overlay_start_0:
0x0: {  	s1 =	sld [smem:$0x3FD9]  }
0x1: {  	s2 =	sld [smem:$0x3FFE];
	_ =	sdelay $0x1  }
0x2: {  	s3 =	srdreg.scid  }
0x3: {  	s0 =	sand.u32 $0x1, s3  }
0x4: {  	s17 =	sshll.u32 s0, $0xA;
	s1 =	sadd.s32 s2, s1  }
0x5: {  	s1 =	sadd.s32 s1, s17  }
0x6: {  	[smem:$0x3F9F] =	sst s1  }
0x7: {  	_ = 	snop  }
0x8: {  	(tm) =	ssettm $0x1  }
0x9: {  	s18 =	sld [smem:$0x3FFB];
	_ =	sdelay $0x3  }
0xa: {  	_ =	strace s18  }
0xb: {  	s1 =	sld [smem:$0x3FFC];
	_ =	sdelay $0x3  }
0xc: {  	_ =	strace s1  }
0xd: {  	s1 =	sld [smem:$0x3FFD];
	_ =	sdelay $0x3  }
0xe: {  	_ =	strace s1  }
0xf: {  	_ =	strace $0x8FFFFFFF  }
0x10: {  	s19 =	sld [smem:$0x3FDB];
	_ =	sdelay $0x1  }
0x11: {  	s20 =	simm.s32 $_scs_section_size  }
0x12: {  	s4 =	simm.s32 $_size__tile_overlayer_lowered;
	s5 =	simm.s32 $_tile_overlayer_lowered  }
0x13: {  	s23 =	simm.s32 $0x1BFF;
	s22 =	sshll.u32 s5, $0x1;
	s1 =	sadd.s32 s20, s19  }
0x14: {  	s6 =	simm.s32 $0x0;
	s21 =	sshll.u32 s4, $0x1;
	s4 =	sadd.s32 s22, s1  }
0x15: {  	[timem:s6], [sflag:s23] =	dma.local [hbm:s4], s21  }
0x16: {  	_ =	swait.ge [sflag:s23], s21  }
0x17: {  	s2 =	ssub.s32 $0x0, s21;
	[sflag:s23] =	ssyncset.done $0x0  }
0x18: {  	[sflag:s23] =	ssyncadd.s32 s2;
	_ =	sdelay $0x1  }
0x19: {  	s24 =	simm.s32 $0x1B8B  }
0x1a: {  	_ =	swait.ge [sflag:s24], $0x1  }
0x1b: {  	[sflag:s24] =	ssyncset.done $0x0  }
0x1c: {  	s26 =	simm.s32 $0x1B8E;
	s25 =	sld [smem:$0x3FFE];
	[sflag:s24] =	ssyncadd.s32 $0xFFFFFFFF  }
0x1d: {  	s27 =	simm.s32 $execute0_lowered;
	[smem:$0x3FD2] =	sst s26  }
0x1e: {  	s4 =	sshll.u32 s27, $0x1;
	_ =	strace $0x80000052;
	[dreg:$0x1] =	wrdreg $0xFFFFFFFF  }
0x1f: {  	s28 =	simm.s32 $_size_execute0_lowered;
	s1 =	sadd.s32 s1, s4;
	[dreg:$0x0] =	wrdreg $0x0  }
0x20: {  	s4 =	sshll.u32 s28, $0x1;
	[dreg:$0x2] =	wrdreg s1  }
0x21: {  	[dreg:$0x3] =	wrdreg s4  }
0x22: {  	[dreg:$0x4] =	wrdreg $0xC0  }
0x23: {  	_ =	task [dreg:s6], $0x5FFFF  }
0x24: {  	[dreg:$0x1] =	wrdreg $0xFFFFFFFF  }
0x25: {  	[dreg:$0x0] =	wrdreg $0x60  }
0x26: {  	[dreg:$0x2] =	wrdreg s25  }
0x27: {  	[dreg:$0x3] =	wrdreg $0x9  }
0x28: {  	_ =	task.clear_ibuf [dreg:s6], $0x4FFFF;
	_ =	strace $0x90000052  }
0x29: {  	s29 =	simm.s32 $0x9;
	_ =	strace $0x80000054  }
0x2a: {  	_ =	swait.ge [sflag:s29], $0x1  }
0x2b: {  	[sflag:s29] =	ssyncadd.s32 $0xFFFFFFFF  }
0x2c: {  	_ =	strace $0x90000054  }
0x2d: {  	_ =	sfence  }
0x2e: {  	s30 =	sld [smem:$0x0];
	_ =	sdelay $0x2  }
0x2f: {  	s31 =	sshll.u32 s3, $0xD;
	s3 =	sshrl.u32 s3, $0x2  }
0x30: {  	s2 =	sand.u32 $0x4000, s31;
	s1 =	sadd.s32 s3, s30  }
0x31: {  	s0 =	sor.u32 s2, s0;
	s1 =	sshll.u32 s1, $0x11  }
0x32: {  	s0 =	sor.u32 s1, s0  }
0x33: {  	s0 =	sadd.s32 $0x8F2B, s0  }
0x34: {  	[sflag:s0] =	ssyncadd.remote.s32 $0x1  }
0x35: {  	_ =	sfence.sel $0xFFFF  }
0x36: {  	[dreg:$0x0] =	wrdreg $0xFFFFFFFF;
	(pc) =	sbr.abs _section_cstart, $3  }
0x37: {  	[dreg:$0x1] =	wrdreg $0xFFFFFFFF  }
0x38: {  	_ =	task.clear_ibuf [dreg:s6], $0x2FFFF;
	_ =	strace $0x9FFFFFFF  }
0x39: {  	(tm) =	ssettm $0x7FFFFFFF  }
tec
execute0_lowered:
.L_overlay_start_1:
0x0: {  	(tag) =	ssettag $0x1  }
0x1: {  	s0 =	stileid.u32  }
0x2: {  	s1 =	srdreg.scid;
	s7 =	rddreg [dreg:$0x0];
	s31 =	simm.s32 $0x2  }
0x3: {  	s14 =	simm.s32 $0x0;
	s2 =	sshll.u32 s0, $0x6;
	s1 =	sshll.u32 s1, $0xA  }
0x4: {  	s13 =	simm.s32 $0x0;
	s3 =	sand.u32 $0x1, s0;
	s1 =	sor.u32 s2, s1  }
0x5: {  	s12 =	simm.s32 $0x0;
	s5 =	ssub.s32 $0x2, s3;
	s2 =	sand.u32 $0x780, s1  }
0x6: {  	s11 =	smov.u32 s3;
	s1 =	rddreg [dreg:$0x1];
	s4 =	ssub.s32 $0xC000, s2  }
0x7: {  	_ =	strace $0x80000053;
	s8 =	sshrl.u32 s5, $0x1;
	s6 =	sand.u32 $0x780, s4  }
0x8: {  	s5 =	sand.u32 $0x1, s5;
	p0 =	sne.s32 s6, $0x0;
	s6 =	simm.s32 $0x1  }
.Ltmp0:
0x9: {  	s9 =	sshrl.u32 s4, $0xB;
	s6 =	simm.s32 @!p0 $0x0;
	(pc) =	sbr.rel .LBB1_1-.Ltmp0, $4  }
0xa: {  	s5 =	sadd.s32 s5, s8;
	s4 =	simm.s32 $0x1;
	s6 =	sadd.s32 s6, s9  }
0xb: {  	s10 =	smov.u32 s2;
	[sflag:s4] =	ssyncpa.u1 $0x0;
	s5 =	smul.u32 s5, s6  }
0xc: {  	[sflag:s31] =	ssyncpa.u1 $0x0;
	p0 =	por $0x0, $0x0;
	s9 =	simm.s32 $0x60000  }
0xd: {  	s6 =	sadd.s32 $0x553000, s7;
	s7 =	sadd.s32 $0x3D3000, s7;
	s8 =	sadd.s32 $0x1, s5  }
.LBB1_4:
0xe: {  	v5 =	vld [tilespmem:s18+$0xFFFFFFD0];
	[tilespmem:s17+$0x2040 ss:$0x81] =	vst.msk $0xffff, v3;
	s20 =	sshll.u32 s14, $0x3  }
0xf: {  	v58 =	vld [tilespmem:s18+$0xFFFFFFE0];
	[tilespmem:s17+$0x2850 ss:$0x81] =	vst.msk $0xffff, v4;
	s24 =	sand.u32 $0x7F, s14;
	s21 =	sand.u32 $0xFFFFFC00, s20  }
0x10: {  	s19 =	sshra.s32 s19, $0x2;
	v59 =	vld [tilespmem:s18+$0xFFFFFFF0];
	[tilespmem:s17+$0x3060 ss:$0x81] =	vst.msk $0xffff, v2;
	s14 =	sor.u32 s24, s21  }
0x11: {  	v60 =	vld [tilespmem:s18+$0x0];
	[tilespmem:s17+$0x0 ss:$0x81] =	vst.msk $0xffff, v0;
	s16 =	sadd.s32 s19, s16;
	s25 =	smulhi.u32 $0xAAAAAAAB, s14  }
0x12: {  	v61 =	vld [tilespmem:s18+$0x10];
	s26 =	smulhi.u32 $0xAAAAAAAB, s20;
	[tilespmem:s16+$0x3870 ss:$0x81] =	vst.msk $0xffff, v1  }
0x13: {  	v62 =	vld [tilespmem:s18+$0x20];
	[tilespmem:s16+$0x810 ss:$0x81] =	vst.msk $0xffff, v5;
	s17 =	sshrl.u32 s25, $0xF  }
0x14: {  	v63 =	vld [tilespmem:s18+$0xFFFFFFC0];
	s27 =	sshrl.u32 s26, $0xF;
	[tilespmem:s16+$0x1020 ss:$0x81] =	vst.msk $0xffff, v58;
	s17 =	smul.u32 $0xC000, s17  }
0x15: {  	s13 =	smul.u32 $0xC0000, s13;
	s18 =	sand.u32 $0x7F, s27;
	[tilespmem:s16+$0x1830 ss:$0x81] =	vst.msk $0xffff, v59  }
0x16: {  	[tilespmem:s16+$0x2040 ss:$0x81] =	vst.msk $0xffff, v60;
	s28 =	smul.u32 $0x1800, s18;
	s14 =	ssub.s32 s14, s17  }
0x17: {  	s13 =	sadd.s32 s7, s13;
	[tilespmem:s16+$0x2850 ss:$0x81] =	vst.msk $0xffff, v61;
	s29 =	sand.u32 $0x7, s14  }
0x18: {  	[tilespmem:s16+$0x3060 ss:$0x81] =	vst.msk $0xffff, v62;
	s13 =	sadd.s32 s28, s13;
	s14 =	sshrl.u32 s14, $0x3;
	s30 =	sshll.u32 s29, $0x12  }
0x19: {  	[tilespmem:s16+$0x0 ss:$0x81] =	vst.msk $0xffff, v63;
	s13 =	sadd.s32 s14, s13;
	s31 =	sor.u32 $0x400, s30  }
0x1a: {  	[hbm4b:s13+s31] =	stream.strided.scatter [tilespmem:s15], [sflag:$0x2], $0x4000, s9, s31, $0x20;
	[tilespmem:$0x10100] =	vst v63  }
.LBB1_5:
0x1b: {  	s15 =	sadd.s32 $0x800, s10  }
0x1c: {  	s13 =	sadd.s32 $0x2, s11;
	s17 =	smov.u32 s11;
	p2 =	sgt.s32 s15, $0xBFFF  }
0x1d: {  	s17 =	smov.u32 @p2 s13  }
0x1e: {  	s15 =	smov.u32 @p2 s2;
	p2 =	sgt.s32 s17, $0x1  }
0x1f: {  	s17 =	smov.u32 @p2 s3;
	p2 =	sne.s32 s12, s8  }
.Ltmp1:
0x20: {  	p1 =	slt.u32 s12, $0x2;
	(pc) =	sbr.rel @!p2 .LBB1_6-.Ltmp1, $4  }
0x21: {  	s16 =	simm.s32 @!p1 $0x2  }
0x22: {  	s14 =	smov.u32 s10;
	p0 =	por !p0, !p0;
	_ =	swait.ge @!p1 [sflag:s16], $0x4000  }
0x23: {  	s13 =	smov.u32 s11;
	[sflag:s16] =	ssyncset.done @!p1 $0x0;
	s10 =	smov.u32 s15  }
0x24: {  	s12 =	sadd.s32 $0x1, s12;
	[sflag:s16] =	ssyncadd.s32 @!p1 $0xFFFFC000;
	s11 =	smov.u32 s17  }
.LBB1_1:
0x25: {  	p1 =	sge.u32 s12, s5  }
0x26: {  	s15 =	sand.u32 @!p1 $0x1FFFFFF, s10  }
0x27: {  	s16 =	smulhi.u32 @!p1 $0xAAAAAB, s15;
	_ =	sdelay $0x1  }
0x28: {  	s16 =	sshrl.u32 @!p1 s16, $0x7  }
0x29: {  	s16 =	smul.u32 @!p1 $0xC000, s16  }
0x2a: {  	s17 =	smul.u32 @!p1 $0xC0000, s11  }
0x2b: {  	s31 =	sadd.s32 $0xFFFFFFFF, s12;
	s15 =	ssub.s32 @!p1 s15, s16;
	s16 =	sxor.u32 @!p1 $0xFFFFFFFF, s12  }
0x2c: {  	s17 =	sadd.s32 @!p1 s6, s17;
	s16 =	sshll.u32 @!p1 s16, $0xE;
	s15 =	sshll.u32 @!p1 s15, $0x4  }
0x2d: {  	s16 =	sand.u32 @!p1 $0x4000, s16;
	s15 =	sadd.s32 @!p1 s15, s17;
	s17 =	simm.s32 @!p1 $0x0  }
0x2e: {  	[tilespmem:s16], [sflag:$0x1] =	stream.linear.gather @!p1 [hbm4b:s15+s17], $0x4000, $0x38;
	[tilespmem:$0x10100] =	vst v63  }
0x2f: {  	p1 =	sge.u32 s31, s5  }
.Ltmp2:
0x30: {  	_ = 	snop;
	(pc) =	sbr.rel @p1 .LBB1_5-.Ltmp2, $1  }
0x31: {  	_ =	sdelay $0x3  }
0x32: {  	s15 =	simm.s32 $0x1  }
0x33: {  	_ =	swait.ge [sflag:s4], $0x4000;
	s15 =	simm.s32 @!p0 $0x0  }
0x34: {  	[sflag:s4] =	ssyncset.done $0x0;
	s16 =	sshll.u32 s15, $0xE  }
0x35: {  	[sflag:s4] =	ssyncadd.s32 $0xFFFFC000;
	s18 =	sor.u32 $0x40, s16  }
0x36: {  	s15 =	smul.u32 $0x10200, s15;
	v0 =	vld [tilespmem:s18+$0x30]  }
0x37: {  	v1 =	vld [tilespmem:s18+$0xFFFFFFD0]  }
0x38: {  	s15 =	sshrl.u32 s15, $0x2;
	v5 =	vld [tilespmem:s18+$0xFFFFFFE0]  }
0x39: {  	v6 =	vld [tilespmem:s18+$0xFFFFFFF0];
	s16 =	sor.u32 $0x8000, s15  }
0x3a: {  	s31 =	sand.u32 $0x1, s12;
	v3 =	vld [tilespmem:s18+$0x0];
	s17 =	sadd.s32 $0x0, s16  }
0x3b: {  	v4 =	vld [tilespmem:s18+$0x10];
	s15 =	smul.u32 $0x10200, s31;
	[tilespmem:s17+$0x3870 ss:$0x81] =	vst.msk $0xffff, v0  }
0x3c: {  	v2 =	vld [tilespmem:s18+$0x20];
	[tilespmem:s17+$0x810 ss:$0x81] =	vst.msk $0xffff, v1  }
0x3d: {  	s15 =	sshrl.u32 s15, $0x2;
	v0 =	vld [tilespmem:s18+$0xFFFFFFC0];
	[tilespmem:s17+$0x1020 ss:$0x81] =	vst.msk $0xffff, v5;
	s18 =	sadd.s32 $0x80, s18  }
0x3e: {  	s19 =	simm.s32 $0x4;
	s20 =	simm.s32 $0x8;
	s15 =	sor.u32 $0x8000, s15;
	[tilespmem:s17+$0x1830 ss:$0x81] =	vst.msk $0xffff, v6;
	v1 =	vld [tilespmem:s18+$0x30]  }
.LBB1_3:
0x3f: {  	p1 =	sne.s32 s20, $0x1FC;
	v5 =	vld [tilespmem:s18+$0xFFFFFFD0];
	[tilespmem:s17+$0x2040 ss:$0x81] =	vst.msk $0xffff, v3  }
0x40: {  	v6 =	vld [tilespmem:s18+$0xFFFFFFE0];
	[tilespmem:s17+$0x2850 ss:$0x81] =	vst.msk $0xffff, v4  }
0x41: {  	s21 =	sshra.s32 s19, $0x2;
	s19 =	smov.u32 s20;
	v7 =	vld [tilespmem:s18+$0xFFFFFFF0];
	[tilespmem:s17+$0x3060 ss:$0x81] =	vst.msk $0xffff, v2  }
.Ltmp3:
0x42: {  	v3 =	vld [tilespmem:s18+$0x0];
	[tilespmem:s17+$0x0 ss:$0x81] =	vst.msk $0xffff, v0;
	s17 =	sadd.s32 s21, s16;
	(pc) =	sbr.rel @p1 .LBB1_3-.Ltmp3, $4  }
0x43: {  	v4 =	vld [tilespmem:s18+$0x10];
	[tilespmem:s17+$0x3870 ss:$0x81] =	vst.msk $0xffff, v1  }
0x44: {  	[tilespmem:s17+$0x810 ss:$0x81] =	vst.msk $0xffff, v5;
	v2 =	vld [tilespmem:s18+$0x20]  }
0x45: {  	v0 =	vld [tilespmem:s18+$0xFFFFFFC0];
	[tilespmem:s17+$0x1020 ss:$0x81] =	vst.msk $0xffff, v6;
	s18 =	sadd.s32 $0x80, s18  }
0x46: {  	s20 =	sadd.s32 $0x4, s20;
	v1 =	vld [tilespmem:s18+$0x30];
	[tilespmem:s17+$0x1830 ss:$0x81] =	vst.msk $0xffff, v7  }
.Ltmp4:
0x47: {  	_ = 	snop;
	(pc) =	sbr.rel .LBB1_4-.Ltmp4, $1  }
0x48: {  	_ =	sdelay $0x3  }
.LBB1_6:
0x49: {  	_ =	sfence.sel $0x180000  }
0x4a: {  	s2 =	simm.s32 $0x1;
	[bflag:$0x0] =	sbarrier.arrive $0xFFFF  }
0x4b: {  	s31 =	simm.s32 $0x2;
	[sflag:s2] =	ssyncpa.u1 $0x1  }
0x4c: {  	[sflag:s31] =	ssyncpa.u1 $0x1  }
0x4d: {  	p0 =	sne.s32 s0, $0x0;
	_ =	strace $0x90000053  }
0x4e: {  	s0 =	sadd.s32 @!p0 $0x100000, s1;
	[bflag:$0x2] =	sbarrier.arrive $0xFFFF  }
0x4f: {  	[sflag:s0] =	ssyncadd.tile.s32 @!p0 $0x1;
	_ =	shalt  }
.Lfunc_end1:
_tile_overlayer_lowered:
.L_overlay_start_2:
0x50: {  	(tag) =	ssettag $0x2  }
0x51: {  	s0 =	rddreg [dreg:$0x0];
	s2 =	stileid.u32  }
0x52: {  	s1 =	rddreg [dreg:$0x1];
	p0 =	sne.s32 s2, $0x0  }
0x53: {  	s3 =	rddreg [dreg:$0x2];
	[bflag:$0x3] =	sbarrier.arrive $0xFFFF;
	s2 =	simm.s32 @!p0 $0x1C01  }
0x54: {  	[timem:s3], [sflag:s2] =	dma.local @!p0 [hbm:s0], s1  }
0x55: {  	s0 =	simm.s32 @!p0 $0x1  }
0x56: {  	_ =	swait.ge @!p0 [sflag:s0], s1  }
0x57: {  	s1 =	ssub.s32 @!p0 $0x0, s1;
	[sflag:s0] =	ssyncset.done @!p0 $0x0  }
0x58: {  	[sflag:s0] =	ssyncadd.s32 @!p0 s1  }
0x59: {  	[bflag:$0x3] =	sbarrier.arrive $0xFFFF  }
0x5a: {  	_ =	shalt  }

// kernel: sparse-core-data-format-call.4.cloned.1.call-start
scs
called_computation.4_lowered:
.L_overlay_start_0:
0x0: {  	s2 =	sld [smem:$0x3FD9]  }
0x1: {  	s3 =	sld [smem:$0x3FFE];
	_ =	sdelay $0x1  }
0x2: {  	s1 =	srdreg.scid  }
0x3: {  	s0 =	sand.u32 $0x1, s1  }
0x4: {  	s18 =	sshll.u32 s0, $0xA;
	s2 =	sadd.s32 s3, s2  }
0x5: {  	s2 =	sadd.s32 s2, s18  }
0x6: {  	[smem:$0x3F9F] =	sst s2  }
0x7: {  	_ = 	snop  }
0x8: {  	(tm) =	ssettm $0x1  }
0x9: {  	s19 =	sld [smem:$0x3FFB];
	_ =	sdelay $0x3  }
0xa: {  	_ =	strace s19  }
0xb: {  	s2 =	sld [smem:$0x3FFC];
	_ =	sdelay $0x3  }
0xc: {  	_ =	strace s2  }
0xd: {  	s2 =	sld [smem:$0x3FFD];
	_ =	sdelay $0x3  }
0xe: {  	_ =	strace s2  }
0xf: {  	_ =	strace $0x8FFFFFFF  }
0x10: {  	s20 =	sld [smem:$0x3FDB];
	_ =	sdelay $0x1  }
0x11: {  	s21 =	simm.s32 $_scs_section_size  }
0x12: {  	s4 =	simm.s32 $_size__tile_overlayer_lowered;
	s5 =	simm.s32 $_tile_overlayer_lowered  }
0x13: {  	s6 =	simm.s32 $0x1BFF;
	s22 =	sshll.u32 s5, $0x1;
	s3 =	sadd.s32 s21, s20  }
0x14: {  	s23 =	simm.s32 $0x0;
	s4 =	sshll.u32 s4, $0x1;
	s5 =	sadd.s32 s22, s3  }
0x15: {  	[timem:s23], [sflag:s6] =	dma.local [hbm:s5], s4  }
0x16: {  	_ =	swait.ge [sflag:s6], s4  }
0x17: {  	s4 =	ssub.s32 $0x0, s4;
	[sflag:s6] =	ssyncset.done $0x0  }
0x18: {  	[sflag:s6] =	ssyncadd.s32 s4;
	_ =	sdelay $0x1  }
0x19: {  	s24 =	simm.s32 $0x1B8B  }
0x1a: {  	_ =	swait.ge [sflag:s24], $0x1  }
0x1b: {  	[sflag:s24] =	ssyncset.done $0x0  }
0x1c: {  	[sflag:s24] =	ssyncadd.s32 $0xFFFFFFFF  }
0x1d: {  	s4 =	sld [smem:$0x0]  }
0x1e: {  	s5 =	sand.u32 $0xFFFFFFFE, s1  }
0x1f: {  	p0 =	sne.s32 s1, s5  }
0x20: {  	s5 =	sshll.u32 @p0 s5, $0xE  }
0x21: {  	s5 =	sadd.s32 @p0 $0x11B8D, s5;
	s6 =	sshll.u32 @p0 s4, $0x11  }
0x22: {  	s5 =	sor.u32 @p0 s6, s5  }
0x23: {  	[sflag:s5] =	ssyncadd.remote.s32 @p0 $0x1;
	_ =	sdelay $0x1  }
0x24: {  	s5 =	simm.s32 @p0 $0x1B8D  }
0x25: {  	_ =	swait.eq @p0 [sflag:s5], $0x1  }
0x26: {  	[sflag:s5] =	ssyncadd.s32 @p0 $0xFFFFFFFF  }
0x27: {  	s6 =	sshll.u32 @!p0 s1, $0xE  }
0x28: {  	s6 =	sor.u32 @!p0 $0x4000, s6;
	s5 =	simm.s32 @!p0 $0x1B8D  }
0x29: {  	s4 =	sshll.u32 @!p0 s4, $0x11;
	s6 =	sadd.s32 @!p0 $0x11B8D, s6;
	_ =	swait.eq @!p0 [sflag:s5], $0x1  }
0x2a: {  	s4 =	sor.u32 @!p0 s4, s6;
	[sflag:s5] =	ssyncadd.s32 @!p0 $0xFFFFFFFF  }
0x2b: {  	s26 =	simm.s32 $0x1B8E;
	s25 =	sld [smem:$0x3FFE];
	[sflag:s4] =	ssyncadd.remote.s32 @!p0 $0x1  }
0x2c: {  	s27 =	simm.s32 $execute0_lowered;
	[smem:$0x3FD2] =	sst s26  }
0x2d: {  	s5 =	sshll.u32 s27, $0x1;
	_ =	strace $0x80000055;
	[dreg:$0x1] =	wrdreg $0xFFFFFFFF  }
0x2e: {  	s28 =	simm.s32 $_size_execute0_lowered;
	s3 =	sadd.s32 s3, s5;
	[dreg:$0x0] =	wrdreg $0x0  }
0x2f: {  	s5 =	sshll.u32 s28, $0x1;
	[dreg:$0x2] =	wrdreg s3  }
0x30: {  	[dreg:$0x3] =	wrdreg s5  }
0x31: {  	[dreg:$0x4] =	wrdreg $0xC0  }
0x32: {  	_ =	task [dreg:s23], $0x5FFFF  }
0x33: {  	[dreg:$0x1] =	wrdreg $0xFFFFFFFF  }
0x34: {  	[dreg:$0x0] =	wrdreg $0x60  }
0x35: {  	[dreg:$0x2] =	wrdreg s25  }
0x36: {  	[dreg:$0x3] =	wrdreg $0xA  }
0x37: {  	_ =	task.clear_ibuf [dreg:s23], $0x4FFFF;
	_ =	strace $0x90000055  }
0x38: {  	s29 =	simm.s32 $0xA;
	_ =	strace $0x80000057  }
0x39: {  	_ =	swait.ge [sflag:s29], $0x1  }
0x3a: {  	[sflag:s29] =	ssyncadd.s32 $0xFFFFFFFF  }
0x3b: {  	_ =	strace $0x90000057  }
0x3c: {  	_ =	sfence  }
0x3d: {  	s30 =	sld [smem:$0x0];
	_ =	sdelay $0x2  }
0x3e: {  	s31 =	sshll.u32 s1, $0xD;
	s1 =	sshrl.u32 s1, $0x2  }
0x3f: {  	s4 =	sand.u32 $0x4000, s31;
	s1 =	sadd.s32 s1, s30  }
0x40: {  	s0 =	sor.u32 s4, s0;
	s1 =	sshll.u32 s1, $0x11  }
0x41: {  	s0 =	sor.u32 s1, s0  }
0x42: {  	s0 =	sadd.s32 $0x8F2B, s0  }
0x43: {  	[sflag:s0] =	ssyncadd.remote.s32 $0x1  }
0x44: {  	_ =	sfence.sel $0xFFFF  }
0x45: {  	[dreg:$0x0] =	wrdreg $0xFFFFFFFF;
	(pc) =	sbr.abs _section_cstart, $3  }
0x46: {  	[dreg:$0x1] =	wrdreg $0xFFFFFFFF  }
0x47: {  	_ =	task.clear_ibuf [dreg:s23], $0x2FFFF;
	_ =	strace $0x9FFFFFFF  }
0x48: {  	(tm) =	ssettm $0x7FFFFFFF  }
0x49: {  	_ =	shalt  }
tec
execute0_lowered:
.L_overlay_start_1:
0x0: {  	(tag) =	ssettag $0x1  }
0x1: {  	s0 =	stileid.u32  }
0x2: {  	s1 =	srdreg.scid;
	s7 =	rddreg [dreg:$0x0];
	s31 =	simm.s32 $0x2  }
0x3: {  	s14 =	simm.s32 $0x0;
	s2 =	sshll.u32 s0, $0x6;
	s1 =	sshll.u32 s1, $0xA  }
0x4: {  	s13 =	simm.s32 $0x0;
	s3 =	sand.u32 $0x1, s0;
	s1 =	sor.u32 s2, s1  }
0x5: {  	s12 =	simm.s32 $0x0;
	s5 =	ssub.s32 $0x2, s3;
	s2 =	sand.u32 $0x780, s1  }
0x6: {  	s11 =	smov.u32 s3;
	s1 =	rddreg [dreg:$0x1];
	s4 =	ssub.s32 $0xC000, s2  }
0x7: {  	_ =	strace $0x80000056;
	s8 =	sshrl.u32 s5, $0x1;
	s6 =	sand.u32 $0x780, s4  }
0x8: {  	s5 =	sand.u32 $0x1, s5;
	p0 =	sne.s32 s6, $0x0;
	s6 =	simm.s32 $0x1  }
.Ltmp0:
0x9: {  	s9 =	sshrl.u32 s4, $0xB;
	s6 =	simm.s32 @!p0 $0x0;
	(pc) =	sbr.rel .LBB1_1-.Ltmp0, $4  }
0xa: {  	s5 =	sadd.s32 s5, s8;
	s4 =	simm.s32 $0x1;
	s6 =	sadd.s32 s6, s9  }
0xb: {  	s10 =	smov.u32 s2;
	[sflag:s4] =	ssyncpa.u1 $0x0;
	s5 =	smul.u32 s5, s6  }
0xc: {  	[sflag:s31] =	ssyncpa.u1 $0x0;
	p0 =	por $0x0, $0x0;
	s9 =	simm.s32 $0x60000  }
0xd: {  	s6 =	sadd.s32 $0x223000, s7;
	s7 =	sadd.s32 $0x6D3000, s7;
	s8 =	sadd.s32 $0x1, s5  }
.LBB1_4:
0xe: {  	v5 =	vld [tilespmem:s18+$0xFFFFFFD0];
	[tilespmem:s17+$0x2040 ss:$0x81] =	vst.msk $0xffff, v3;
	s20 =	sshll.u32 s14, $0x3  }
0xf: {  	v58 =	vld [tilespmem:s18+$0xFFFFFFE0];
	[tilespmem:s17+$0x2850 ss:$0x81] =	vst.msk $0xffff, v4;
	s24 =	sand.u32 $0x7F, s14;
	s21 =	sand.u32 $0xFFFFFC00, s20  }
0x10: {  	s19 =	sshra.s32 s19, $0x2;
	v59 =	vld [tilespmem:s18+$0xFFFFFFF0];
	[tilespmem:s17+$0x3060 ss:$0x81] =	vst.msk $0xffff, v2;
	s14 =	sor.u32 s24, s21  }
0x11: {  	v60 =	vld [tilespmem:s18+$0x0];
	[tilespmem:s17+$0x0 ss:$0x81] =	vst.msk $0xffff, v0;
	s16 =	sadd.s32 s19, s16;
	s25 =	smulhi.u32 $0xAAAAAAAB, s14  }
0x12: {  	v61 =	vld [tilespmem:s18+$0x10];
	s26 =	smulhi.u32 $0xAAAAAAAB, s20;
	[tilespmem:s16+$0x3870 ss:$0x81] =	vst.msk $0xffff, v1  }
0x13: {  	v62 =	vld [tilespmem:s18+$0x20];
	[tilespmem:s16+$0x810 ss:$0x81] =	vst.msk $0xffff, v5;
	s17 =	sshrl.u32 s25, $0xF  }
0x14: {  	v63 =	vld [tilespmem:s18+$0xFFFFFFC0];
	s27 =	sshrl.u32 s26, $0xF;
	[tilespmem:s16+$0x1020 ss:$0x81] =	vst.msk $0xffff, v58;
	s17 =	smul.u32 $0xC000, s17  }
0x15: {  	s13 =	smul.u32 $0xC0000, s13;
	s18 =	sand.u32 $0x7F, s27;
	[tilespmem:s16+$0x1830 ss:$0x81] =	vst.msk $0xffff, v59  }
0x16: {  	[tilespmem:s16+$0x2040 ss:$0x81] =	vst.msk $0xffff, v60;
	s28 =	smul.u32 $0x1800, s18;
	s14 =	ssub.s32 s14, s17  }
0x17: {  	s13 =	sadd.s32 s7, s13;
	[tilespmem:s16+$0x2850 ss:$0x81] =	vst.msk $0xffff, v61;
	s29 =	sand.u32 $0x7, s14  }
0x18: {  	[tilespmem:s16+$0x3060 ss:$0x81] =	vst.msk $0xffff, v62;
	s13 =	sadd.s32 s28, s13;
	s14 =	sshrl.u32 s14, $0x3;
	s30 =	sshll.u32 s29, $0x12  }
0x19: {  	[tilespmem:s16+$0x0 ss:$0x81] =	vst.msk $0xffff, v63;
	s13 =	sadd.s32 s14, s13;
	s31 =	sor.u32 $0x400, s30  }
0x1a: {  	[hbm4b:s13+s31] =	stream.strided.scatter [tilespmem:s15], [sflag:$0x2], $0x4000, s9, s31, $0x20;
	[tilespmem:$0x10100] =	vst v63  }
.LBB1_5:
0x1b: {  	s15 =	sadd.s32 $0x800, s10  }
0x1c: {  	s13 =	sadd.s32 $0x2, s11;
	s17 =	smov.u32 s11;
	p2 =	sgt.s32 s15, $0xBFFF  }
0x1d: {  	s17 =	smov.u32 @p2 s13  }
0x1e: {  	s15 =	smov.u32 @p2 s2;
	p2 =	sgt.s32 s17, $0x1  }
0x1f: {  	s17 =	smov.u32 @p2 s3;
	p2 =	sne.s32 s12, s8  }
.Ltmp1:
0x20: {  	p1 =	slt.u32 s12, $0x2;
	(pc) =	sbr.rel @!p2 .LBB1_6-.Ltmp1, $4  }
0x21: {  	s16 =	simm.s32 @!p1 $0x2  }
0x22: {  	s14 =	smov.u32 s10;
	p0 =	por !p0, !p0;
	_ =	swait.ge @!p1 [sflag:s16], $0x4000  }
0x23: {  	s13 =	smov.u32 s11;
	[sflag:s16] =	ssyncset.done @!p1 $0x0;
	s10 =	smov.u32 s15  }
0x24: {  	s12 =	sadd.s32 $0x1, s12;
	[sflag:s16] =	ssyncadd.s32 @!p1 $0xFFFFC000;
	s11 =	smov.u32 s17  }
.LBB1_1:
0x25: {  	p1 =	sge.u32 s12, s5  }
0x26: {  	s15 =	sand.u32 @!p1 $0x1FFFFFF, s10  }
0x27: {  	s16 =	smulhi.u32 @!p1 $0xAAAAAB, s15;
	_ =	sdelay $0x1  }
0x28: {  	s16 =	sshrl.u32 @!p1 s16, $0x7  }
0x29: {  	s16 =	smul.u32 @!p1 $0xC000, s16  }
0x2a: {  	s17 =	smul.u32 @!p1 $0xC0000, s11  }
0x2b: {  	s31 =	sadd.s32 $0xFFFFFFFF, s12;
	s15 =	ssub.s32 @!p1 s15, s16;
	s16 =	sxor.u32 @!p1 $0xFFFFFFFF, s12  }
0x2c: {  	s17 =	sadd.s32 @!p1 s6, s17;
	s16 =	sshll.u32 @!p1 s16, $0xE;
	s15 =	sshll.u32 @!p1 s15, $0x4  }
0x2d: {  	s16 =	sand.u32 @!p1 $0x4000, s16;
	s15 =	sadd.s32 @!p1 s15, s17;
	s17 =	simm.s32 @!p1 $0x0  }
0x2e: {  	[tilespmem:s16], [sflag:$0x1] =	stream.linear.gather @!p1 [hbm4b:s15+s17], $0x4000, $0x38;
	[tilespmem:$0x10100] =	vst v63  }
0x2f: {  	p1 =	sge.u32 s31, s5  }
.Ltmp2:
0x30: {  	_ = 	snop;
	(pc) =	sbr.rel @p1 .LBB1_5-.Ltmp2, $1  }
0x31: {  	_ =	sdelay $0x3  }
0x32: {  	s15 =	simm.s32 $0x1  }
0x33: {  	_ =	swait.ge [sflag:s4], $0x4000;
	s15 =	simm.s32 @!p0 $0x0  }
0x34: {  	[sflag:s4] =	ssyncset.done $0x0;
	s16 =	sshll.u32 s15, $0xE  }
0x35: {  	[sflag:s4] =	ssyncadd.s32 $0xFFFFC000;
	s18 =	sor.u32 $0x40, s16  }
0x36: {  	s15 =	smul.u32 $0x10200, s15;
	v0 =	vld [tilespmem:s18+$0x30]  }
0x37: {  	v1 =	vld [tilespmem:s18+$0xFFFFFFD0]  }
0x38: {  	s15 =	sshrl.u32 s15, $0x2;
	v5 =	vld [tilespmem:s18+$0xFFFFFFE0]  }
0x39: {  	v6 =	vld [tilespmem:s18+$0xFFFFFFF0];
	s16 =	sor.u32 $0x8000, s15  }
0x3a: {  	s31 =	sand.u32 $0x1, s12;
	v3 =	vld [tilespmem:s18+$0x0];
	s17 =	sadd.s32 $0x0, s16  }
0x3b: {  	v4 =	vld [tilespmem:s18+$0x10];
	s15 =	smul.u32 $0x10200, s31;
	[tilespmem:s17+$0x3870 ss:$0x81] =	vst.msk $0xffff, v0  }
0x3c: {  	v2 =	vld [tilespmem:s18+$0x20];
	[tilespmem:s17+$0x810 ss:$0x81] =	vst.msk $0xffff, v1  }
0x3d: {  	s15 =	sshrl.u32 s15, $0x2;
	v0 =	vld [tilespmem:s18+$0xFFFFFFC0];
	[tilespmem:s17+$0x1020 ss:$0x81] =	vst.msk $0xffff, v5;
	s18 =	sadd.s32 $0x80, s18  }
0x3e: {  	s19 =	simm.s32 $0x4;
	s20 =	simm.s32 $0x8;
	s15 =	sor.u32 $0x8000, s15;
	[tilespmem:s17+$0x1830 ss:$0x81] =	vst.msk $0xffff, v6;
	v1 =	vld [tilespmem:s18+$0x30]  }
.LBB1_3:
0x3f: {  	p1 =	sne.s32 s20, $0x1FC;
	v5 =	vld [tilespmem:s18+$0xFFFFFFD0];
	[tilespmem:s17+$0x2040 ss:$0x81] =	vst.msk $0xffff, v3  }
0x40: {  	v6 =	vld [tilespmem:s18+$0xFFFFFFE0];
	[tilespmem:s17+$0x2850 ss:$0x81] =	vst.msk $0xffff, v4  }
0x41: {  	s21 =	sshra.s32 s19, $0x2;
	s19 =	smov.u32 s20;
	v7 =	vld [tilespmem:s18+$0xFFFFFFF0];
	[tilespmem:s17+$0x3060 ss:$0x81] =	vst.msk $0xffff, v2  }
.Ltmp3:
0x42: {  	v3 =	vld [tilespmem:s18+$0x0];
	[tilespmem:s17+$0x0 ss:$0x81] =	vst.msk $0xffff, v0;
	s17 =	sadd.s32 s21, s16;
	(pc) =	sbr.rel @p1 .LBB1_3-.Ltmp3, $4  }
0x43: {  	v4 =	vld [tilespmem:s18+$0x10];
	[tilespmem:s17+$0x3870 ss:$0x81] =	vst.msk $0xffff, v1  }
0x44: {  	[tilespmem:s17+$0x810 ss:$0x81] =	vst.msk $0xffff, v5;
	v2 =	vld [tilespmem:s18+$0x20]  }
0x45: {  	v0 =	vld [tilespmem:s18+$0xFFFFFFC0];
	[tilespmem:s17+$0x1020 ss:$0x81] =	vst.msk $0xffff, v6;
	s18 =	sadd.s32 $0x80, s18  }
0x46: {  	s20 =	sadd.s32 $0x4, s20;
	v1 =	vld [tilespmem:s18+$0x30];
	[tilespmem:s17+$0x1830 ss:$0x81] =	vst.msk $0xffff, v7  }
.Ltmp4:
0x47: {  	_ = 	snop;
	(pc) =	sbr.rel .LBB1_4-.Ltmp4, $1  }
0x48: {  	_ =	sdelay $0x3  }
.LBB1_6:
0x49: {  	_ =	sfence.sel $0x180000  }
0x4a: {  	s2 =	simm.s32 $0x1;
	[bflag:$0x0] =	sbarrier.arrive $0xFFFF  }
0x4b: {  	s31 =	simm.s32 $0x2;
	[sflag:s2] =	ssyncpa.u1 $0x1  }
0x4c: {  	[sflag:s31] =	ssyncpa.u1 $0x1  }
0x4d: {  	p0 =	sne.s32 s0, $0x0;
	_ =	strace $0x90000056  }
0x4e: {  	s0 =	sadd.s32 @!p0 $0x100000, s1;
	[bflag:$0x2] =	sbarrier.arrive $0xFFFF  }
0x4f: {  	[sflag:s0] =	ssyncadd.tile.s32 @!p0 $0x1;
	_ =	shalt  }
.Lfunc_end1:
_tile_overlayer_lowered:
.L_overlay_start_2:
0x50: {  	(tag) =	ssettag $0x2  }
0x51: {  	s0 =	rddreg [dreg:$0x0];
	s2 =	stileid.u32  }
0x52: {  	s1 =	rddreg [dreg:$0x1];
	p0 =	sne.s32 s2, $0x0  }
0x53: {  	s3 =	rddreg [dreg:$0x2];
	[bflag:$0x3] =	sbarrier.arrive $0xFFFF;
	s2 =	simm.s32 @!p0 $0x1C01  }
0x54: {  	[timem:s3], [sflag:s2] =	dma.local @!p0 [hbm:s0], s1  }
0x55: {  	s0 =	simm.s32 @!p0 $0x1  }
0x56: {  	_ =	swait.ge @!p0 [sflag:s0], s1  }
0x57: {  	s1 =	ssub.s32 @!p0 $0x0, s1;
	[sflag:s0] =	ssyncset.done @!p0 $0x0  }
0x58: {  	[sflag:s0] =	ssyncadd.s32 @!p0 s1  }
0x59: {  	[bflag:$0x3] =	sbarrier.arrive $0xFFFF  }
0x5a: {  	_ =	shalt  }

// kernel: sparse-core-data-format-call.5.cloned.1.call-start
scs
called_computation.5_lowered:
.L_overlay_start_0:
0x0: {  	s1 =	sld [smem:$0x3FD9]  }
0x1: {  	s2 =	sld [smem:$0x3FFE];
	_ =	sdelay $0x1  }
0x2: {  	s3 =	srdreg.scid  }
0x3: {  	s0 =	sand.u32 $0x1, s3  }
0x4: {  	s17 =	sshll.u32 s0, $0xA;
	s1 =	sadd.s32 s2, s1  }
0x5: {  	s1 =	sadd.s32 s1, s17  }
0x6: {  	[smem:$0x3F9F] =	sst s1  }
0x7: {  	_ = 	snop  }
0x8: {  	(tm) =	ssettm $0x1  }
0x9: {  	s18 =	sld [smem:$0x3FFB];
	_ =	sdelay $0x3  }
0xa: {  	_ =	strace s18  }
0xb: {  	s1 =	sld [smem:$0x3FFC];
	_ =	sdelay $0x3  }
0xc: {  	_ =	strace s1  }
0xd: {  	s1 =	sld [smem:$0x3FFD];
	_ =	sdelay $0x3  }
0xe: {  	_ =	strace s1  }
0xf: {  	_ =	strace $0x8FFFFFFF  }
0x10: {  	s19 =	sld [smem:$0x3FDB];
	_ =	sdelay $0x1  }
0x11: {  	s20 =	simm.s32 $_scs_section_size  }
0x12: {  	s4 =	simm.s32 $_size__tile_overlayer_lowered;
	s5 =	simm.s32 $_tile_overlayer_lowered  }
0x13: {  	s23 =	simm.s32 $0x1BFF;
	s22 =	sshll.u32 s5, $0x1;
	s1 =	sadd.s32 s20, s19  }
0x14: {  	s6 =	simm.s32 $0x0;
	s21 =	sshll.u32 s4, $0x1;
	s4 =	sadd.s32 s22, s1  }
0x15: {  	[timem:s6], [sflag:s23] =	dma.local [hbm:s4], s21  }
0x16: {  	_ =	swait.ge [sflag:s23], s21  }
0x17: {  	s2 =	ssub.s32 $0x0, s21;
	[sflag:s23] =	ssyncset.done $0x0  }
0x18: {  	[sflag:s23] =	ssyncadd.s32 s2;
	_ =	sdelay $0x1  }
0x19: {  	s24 =	simm.s32 $0x1B8B  }
0x1a: {  	_ =	swait.ge [sflag:s24], $0x1  }
0x1b: {  	[sflag:s24] =	ssyncset.done $0x0  }
0x1c: {  	s26 =	simm.s32 $0x1B8E;
	s25 =	sld [smem:$0x3FFE];
	[sflag:s24] =	ssyncadd.s32 $0xFFFFFFFF  }
0x1d: {  	s27 =	simm.s32 $execute0_lowered;
	[smem:$0x3FD2] =	sst s26  }
0x1e: {  	s4 =	sshll.u32 s27, $0x1;
	_ =	strace $0x8000004C;
	[dreg:$0x1] =	wrdreg $0xFFFFFFFF  }
0x1f: {  	s28 =	simm.s32 $_size_execute0_lowered;
	s1 =	sadd.s32 s1, s4;
	[dreg:$0x0] =	wrdreg $0x0  }
0x20: {  	s4 =	sshll.u32 s28, $0x1;
	[dreg:$0x2] =	wrdreg s1  }
0x21: {  	[dreg:$0x3] =	wrdreg s4  }
0x22: {  	[dreg:$0x4] =	wrdreg $0xC0  }
0x23: {  	_ =	task [dreg:s6], $0x5FFFF  }
0x24: {  	[dreg:$0x1] =	wrdreg $0xFFFFFFFF  }
0x25: {  	[dreg:$0x0] =	wrdreg $0x60  }
0x26: {  	[dreg:$0x2] =	wrdreg s25  }
0x27: {  	[dreg:$0x3] =	wrdreg $0x9  }
0x28: {  	_ =	task.clear_ibuf [dreg:s6], $0x4FFFF;
	_ =	strace $0x9000004C  }
0x29: {  	s29 =	simm.s32 $0x9;
	_ =	strace $0x8000004E  }
0x2a: {  	_ =	swait.ge [sflag:s29], $0x1  }
0x2b: {  	[sflag:s29] =	ssyncadd.s32 $0xFFFFFFFF  }
0x2c: {  	_ =	strace $0x9000004E  }
0x2d: {  	_ =	sfence  }
0x2e: {  	s30 =	sld [smem:$0x0];
	_ =	sdelay $0x2  }
0x2f: {  	s31 =	sshll.u32 s3, $0xD;
	s3 =	sshrl.u32 s3, $0x2  }
0x30: {  	s2 =	sand.u32 $0x4000, s31;
	s1 =	sadd.s32 s3, s30  }
0x31: {  	s0 =	sor.u32 s2, s0;
	s1 =	sshll.u32 s1, $0x11  }
0x32: {  	s0 =	sor.u32 s1, s0  }
0x33: {  	s0 =	sadd.s32 $0x8F2B, s0  }
0x34: {  	[sflag:s0] =	ssyncadd.remote.s32 $0x1  }
0x35: {  	_ =	sfence.sel $0xFFFF  }
0x36: {  	[dreg:$0x0] =	wrdreg $0xFFFFFFFF;
	(pc) =	sbr.abs _section_cstart, $3  }
0x37: {  	[dreg:$0x1] =	wrdreg $0xFFFFFFFF  }
0x38: {  	_ =	task.clear_ibuf [dreg:s6], $0x2FFFF;
	_ =	strace $0x9FFFFFFF  }
0x39: {  	(tm) =	ssettm $0x7FFFFFFF  }
tec
execute0_lowered:
.L_overlay_start_1:
0x0: {  	(tag) =	ssettag $0x1  }
0x1: {  	s0 =	stileid.u32  }
0x2: {  	s1 =	srdreg.scid;
	s5 =	rddreg [dreg:$0x0];
	s31 =	simm.s32 $0x2  }
0x3: {  	s16 =	simm.s32 $0x0;
	s2 =	sshll.u32 s0, $0x6;
	s1 =	sshll.u32 s1, $0xA  }
0x4: {  	s9 =	simm.s32 $0x4000;
	s14 =	simm.s32 $0x0;
	s1 =	sor.u32 s2, s1  }
0x5: {  	s15 =	simm.s32 $0x0;
	s10 =	simm.s32 $0x0;
	s1 =	sand.u32 $0x780, s1  }
0x6: {  	s13 =	simm.s32 $0x0;
	s2 =	sand.u32 $0x1, s0;
	s3 =	ssub.s32 $0x800, s1  }
0x7: {  	s4 =	ssub.s32 $0x2, s2;
	s12 =	smov.u32 s2;
	s6 =	sand.u32 $0x780, s3  }
0x8: {  	s7 =	sshrl.u32 s4, $0x1;
	p0 =	sne.s32 s6, $0x0;
	s6 =	simm.s32 $0x1  }
0x9: {  	s4 =	sand.u32 $0x1, s4;
	s8 =	sshrl.u32 s3, $0xB;
	s6 =	simm.s32 @!p0 $0x0  }
.Ltmp0:
0xa: {  	s4 =	sadd.s32 s4, s7;
	s6 =	sadd.s32 s6, s8;
	(pc) =	sbr.rel .LBB1_1-.Ltmp0, $4  }
0xb: {  	s11 =	smov.u32 s1;
	s3 =	rddreg [dreg:$0x1];
	s7 =	smul.u32 s6, s4  }
0xc: {  	_ =	strace $0x8000004D;
	p0 =	por $0x0, $0x0;
	s6 =	simm.s32 $0x1  }
0xd: {  	s4 =	sadd.s32 $0x223000, s5;
	[sflag:s6] =	ssyncpa.u1 $0x0;
	s7 =	sshll.u32 s7, $0x4  }
0xe: {  	s5 =	sadd.s32 $0x323000, s5;
	[sflag:s31] =	ssyncpa.u1 $0x0;
	s8 =	sor.u32 $0x1, s7  }
.LBB1_4:
0xf: {  	v5 =	vld [tilespmem:s19+$0xFFFFFFD0]  }
0x10: {  	[tilespmem:s20+$0x2040 ss:$0x81] =	vst.msk $0xffff, v1;
	v58 =	vld [tilespmem:s19+$0xFFFFFFE0]  }
0x11: {  	[tilespmem:s20+$0x2850 ss:$0x81] =	vst.msk $0xffff, v2;
	v59 =	vld [tilespmem:s19+$0xFFFFFFF0]  }
0x12: {  	s21 =	sshra.s32 s21, $0x2;
	[tilespmem:s20+$0x3060 ss:$0x81] =	vst.msk $0xffff, v3;
	v60 =	vld [tilespmem:s19+$0x0]  }
0x13: {  	[tilespmem:s20+$0x0 ss:$0x81] =	vst.msk $0xffff, v0;
	v61 =	vld [tilespmem:s19+$0x10];
	s18 =	sadd.s32 s21, s18  }
0x14: {  	s26 =	sshll.u32 s16, $0xB;
	v62 =	vld [tilespmem:s19+$0x20];
	[tilespmem:s18+$0x3870 ss:$0x81] =	vst.msk $0xffff, v4  }
0x15: {  	s27 =	sand.u32 $0x78, s14;
	s22 =	sshll.u32 s14, $0x3;
	v63 =	vld [tilespmem:s19+$0xFFFFFFC0];
	s29 =	sshll.u32 s16, $0x7;
	[tilespmem:s18+$0x810 ss:$0x81] =	vst.msk $0xffff, v5  }
0x16: {  	s15 =	sshll.u32 s15, $0x13;
	s20 =	sand.u32 $0x3FC000, s26;
	s28 =	sand.u32 $0x3FFC00, s22;
	[tilespmem:s18+$0x1020 ss:$0x81] =	vst.msk $0xffff, v58  }
0x17: {  	s31 =	sand.u32 $0x7, s14;
	s22 =	sand.u32 $0x400, s22;
	s19 =	sadd.s32 s28, s20;
	[tilespmem:s18+$0x1830 ss:$0x81] =	vst.msk $0xffff, v59  }
0x18: {  	s16 =	sand.u32 $0x380, s29;
	s30 =	sor.u32 s27, s22;
	s19 =	sshrl.u32 s19, $0x3;
	[tilespmem:s18+$0x2040 ss:$0x81] =	vst.msk $0xffff, v60  }
0x19: {  	s15 =	sadd.s32 s5, s15;
	s16 =	sor.u32 s16, s30;
	s19 =	sand.u32 $0x7FF00, s19;
	[tilespmem:s18+$0x2850 ss:$0x81] =	vst.msk $0xffff, v61  }
0x1a: {  	s14 =	sshll.u32 s31, $0x12;
	s16 =	sshrl.u32 s16, $0x3;
	[tilespmem:s18+$0x3060 ss:$0x81] =	vst.msk $0xffff, v62;
	s15 =	sadd.s32 s19, s15  }
0x1b: {  	s14 =	sor.u32 $0x400, s14;
	[tilespmem:s18+$0x0 ss:$0x81] =	vst.msk $0xffff, v63;
	s15 =	sadd.s32 s16, s15  }
0x1c: {  	[hbm4b:s15+s14] =	stream.strided.scatter [tilespmem:s17], [sflag:$0x2], $0x4000, s9, s14, $0x20;
	[tilespmem:$0x10100] =	vst v63  }
.LBB1_5:
0x1d: {  	s17 =	sadd.s32 $0x80, s10  }
0x1e: {  	s14 =	sadd.s32 $0x800, s11;
	s18 =	smov.u32 s11;
	p2 =	sgt.s32 s17, $0x7FF  }
0x1f: {  	s18 =	smov.u32 @p2 s14  }
0x20: {  	s20 =	smov.u32 s12;
	s14 =	sadd.s32 $0x2, s12;
	p3 =	sgt.s32 s18, $0x7FF  }
0x21: {  	s20 =	smov.u32 @p3 s14  }
0x22: {  	s17 =	simm.s32 @p2 $0x0;
	p2 =	sgt.s32 s20, $0x1  }
0x23: {  	p1 =	slt.u32 s13, $0x2;
	s20 =	smov.u32 @p2 s2;
	p2 =	sne.s32 s13, s8  }
.Ltmp1:
0x24: {  	s19 =	simm.s32 @!p1 $0x2;
	(pc) =	sbr.rel @!p2 .LBB1_6-.Ltmp1, $4  }
0x25: {  	s16 =	smov.u32 s10;
	s15 =	smov.u32 s12;
	_ =	swait.ge @!p1 [sflag:s19], $0x4000  }
0x26: {  	p0 =	por !p0, !p0;
	[sflag:s19] =	ssyncset.done @!p1 $0x0;
	s10 =	smov.u32 s17  }
0x27: {  	s18 =	smov.u32 @p3 s1;
	s14 =	smov.u32 s11;
	[sflag:s19] =	ssyncadd.s32 @!p1 $0xFFFFC000  }
0x28: {  	s11 =	smov.u32 s18;
	s13 =	sadd.s32 $0x1, s13;
	s12 =	smov.u32 s20  }
.LBB1_1:
0x29: {  	p1 =	sge.u32 s13, s7;
	s31 =	sadd.s32 $0xFFFFFFFF, s13  }
0x2a: {  	s17 =	sxor.u32 @!p1 $0xFFFFFFFF, s13;
	s18 =	sand.u32 @!p1 $0x78, s10;
	s19 =	sshll.u32 @!p1 s11, $0xB  }
0x2b: {  	s20 =	sshll.u32 @!p1 s11, $0x7;
	s21 =	sshll.u32 @!p1 s10, $0x3;
	s17 =	sshll.u32 @!p1 s17, $0xE  }
0x2c: {  	s19 =	sand.u32 @!p1 $0x3FC000, s19;
	s20 =	sand.u32 @!p1 $0x380, s20;
	s17 =	sand.u32 @!p1 $0x4000, s17  }
0x2d: {  	s19 =	sadd.s32 @!p1 s19, s21;
	s21 =	sand.u32 @!p1 $0x400, s21;
	s18 =	sor.u32 @!p1 s20, s18  }
0x2e: {  	s20 =	sshll.u32 @!p1 s12, $0x13;
	s18 =	sor.u32 @!p1 s21, s18;
	s19 =	sshrl.u32 @!p1 s19, $0x3  }
0x2f: {  	s20 =	sadd.s32 @!p1 s4, s20;
	s21 =	sand.u32 @!p1 $0x7, s10;
	s19 =	sand.u32 @!p1 $0x7FF00, s19  }
0x30: {  	s18 =	sshrl.u32 @!p1 s18, $0x3;
	s19 =	sadd.s32 @!p1 s19, s20;
	s20 =	sshll.u32 @!p1 s21, $0x12  }
0x31: {  	s18 =	sadd.s32 @!p1 s18, s19;
	s19 =	sor.u32 @!p1 $0x400, s20;
	s20 =	simm.s32 @!p1 $0x4000  }
0x32: {  	[tilespmem:s17], [sflag:$0x1] =	stream.strided.gather @!p1 [hbm4b:s18+s19], $0x4000, s20, s19, $0x38;
	[tilespmem:$0x10100] =	vst v63  }
0x33: {  	p1 =	sge.u32 s31, s7  }
.Ltmp2:
0x34: {  	_ = 	snop;
	(pc) =	sbr.rel @p1 .LBB1_5-.Ltmp2, $1  }
0x35: {  	_ =	sdelay $0x3  }
0x36: {  	s17 =	simm.s32 $0x1  }
0x37: {  	_ =	swait.ge [sflag:s6], $0x4000;
	s17 =	simm.s32 @!p0 $0x0  }
0x38: {  	[sflag:s6] =	ssyncset.done $0x0;
	s18 =	sshll.u32 s17, $0xE  }
0x39: {  	[sflag:s6] =	ssyncadd.s32 $0xFFFFC000;
	s19 =	sor.u32 $0x40, s18  }
0x3a: {  	s17 =	smul.u32 $0x10200, s17;
	v0 =	vld [tilespmem:s19+$0x30]  }
0x3b: {  	v3 =	vld [tilespmem:s19+$0xFFFFFFD0]  }
0x3c: {  	s17 =	sshrl.u32 s17, $0x2;
	v4 =	vld [tilespmem:s19+$0xFFFFFFE0]  }
0x3d: {  	v5 =	vld [tilespmem:s19+$0xFFFFFFF0];
	s18 =	sor.u32 $0x8000, s17  }
0x3e: {  	s31 =	sand.u32 $0x1, s13;
	v1 =	vld [tilespmem:s19+$0x0];
	s20 =	sadd.s32 $0x0, s18  }
0x3f: {  	v2 =	vld [tilespmem:s19+$0x10];
	s17 =	smul.u32 $0x10200, s31;
	[tilespmem:s20+$0x3870 ss:$0x81] =	vst.msk $0xffff, v0  }
0x40: {  	[tilespmem:s20+$0x810 ss:$0x81] =	vst.msk $0xffff, v3;
	v3 =	vld [tilespmem:s19+$0x20]  }
0x41: {  	s17 =	sshrl.u32 s17, $0x2;
	v0 =	vld [tilespmem:s19+$0xFFFFFFC0];
	[tilespmem:s20+$0x1020 ss:$0x81] =	vst.msk $0xffff, v4;
	s19 =	sadd.s32 $0x80, s19  }
0x42: {  	s21 =	simm.s32 $0x4;
	s22 =	simm.s32 $0x8;
	s17 =	sor.u32 $0x8000, s17;
	[tilespmem:s20+$0x1830 ss:$0x81] =	vst.msk $0xffff, v5;
	v4 =	vld [tilespmem:s19+$0x30]  }
.LBB1_3:
0x43: {  	p1 =	sne.s32 s22, $0x1FC;
	v5 =	vld [tilespmem:s19+$0xFFFFFFD0];
	[tilespmem:s20+$0x2040 ss:$0x81] =	vst.msk $0xffff, v1  }
0x44: {  	v6 =	vld [tilespmem:s19+$0xFFFFFFE0];
	[tilespmem:s20+$0x2850 ss:$0x81] =	vst.msk $0xffff, v2  }
0x45: {  	s23 =	sshra.s32 s21, $0x2;
	s21 =	smov.u32 s22;
	v7 =	vld [tilespmem:s19+$0xFFFFFFF0];
	[tilespmem:s20+$0x3060 ss:$0x81] =	vst.msk $0xffff, v3  }
.Ltmp3:
0x46: {  	v1 =	vld [tilespmem:s19+$0x0];
	[tilespmem:s20+$0x0 ss:$0x81] =	vst.msk $0xffff, v0;
	s20 =	sadd.s32 s23, s18;
	(pc) =	sbr.rel @p1 .LBB1_3-.Ltmp3, $4  }
0x47: {  	v2 =	vld [tilespmem:s19+$0x10];
	[tilespmem:s20+$0x3870 ss:$0x81] =	vst.msk $0xffff, v4  }
0x48: {  	[tilespmem:s20+$0x810 ss:$0x81] =	vst.msk $0xffff, v5;
	v3 =	vld [tilespmem:s19+$0x20]  }
0x49: {  	v0 =	vld [tilespmem:s19+$0xFFFFFFC0];
	[tilespmem:s20+$0x1020 ss:$0x81] =	vst.msk $0xffff, v6;
	s19 =	sadd.s32 $0x80, s19  }
0x4a: {  	s22 =	sadd.s32 $0x4, s22;
	v4 =	vld [tilespmem:s19+$0x30];
	[tilespmem:s20+$0x1830 ss:$0x81] =	vst.msk $0xffff, v7  }
.Ltmp4:
0x4b: {  	_ = 	snop;
	(pc) =	sbr.rel .LBB1_4-.Ltmp4, $1  }
0x4c: {  	_ =	sdelay $0x3  }
.LBB1_6:
0x4d: {  	_ =	sfence.sel $0x180000  }
0x4e: {  	s1 =	simm.s32 $0x1;
	[bflag:$0x0] =	sbarrier.arrive $0xFFFF  }
0x4f: {  	s31 =	simm.s32 $0x2;
	[sflag:s1] =	ssyncpa.u1 $0x1  }
0x50: {  	[sflag:s31] =	ssyncpa.u1 $0x1  }
0x51: {  	p0 =	sne.s32 s0, $0x0;
	_ =	strace $0x9000004D  }
0x52: {  	s0 =	sadd.s32 @!p0 $0x100000, s3;
	[bflag:$0x2] =	sbarrier.arrive $0xFFFF  }
0x53: {  	[sflag:s0] =	ssyncadd.tile.s32 @!p0 $0x1;
	_ =	shalt  }
.Lfunc_end1:
_tile_overlayer_lowered:
.L_overlay_start_2:
0x54: {  	(tag) =	ssettag $0x2  }
0x55: {  	s0 =	rddreg [dreg:$0x0];
	s2 =	stileid.u32  }
0x56: {  	s1 =	rddreg [dreg:$0x1];
	p0 =	sne.s32 s2, $0x0  }
0x57: {  	s3 =	rddreg [dreg:$0x2];
	[bflag:$0x3] =	sbarrier.arrive $0xFFFF;
	s2 =	simm.s32 @!p0 $0x1C01  }
0x58: {  	[timem:s3], [sflag:s2] =	dma.local @!p0 [hbm:s0], s1  }
0x59: {  	s0 =	simm.s32 @!p0 $0x1  }
0x5a: {  	_ =	swait.ge @!p0 [sflag:s0], s1  }
0x5b: {  	s1 =	ssub.s32 @!p0 $0x0, s1;
	[sflag:s0] =	ssyncset.done @!p0 $0x0  }
0x5c: {  	[sflag:s0] =	ssyncadd.s32 @!p0 s1  }
0x5d: {  	[bflag:$0x3] =	sbarrier.arrive $0xFFFF  }
0x5e: {  	_ =	shalt  }

// kernel: sparse-core-data-format-call.6.cloned.1.call-start
scs
called_computation.6_lowered:
.L_overlay_start_0:
0x0: {  	s1 =	sld [smem:$0x3FD9]  }
0x1: {  	s2 =	sld [smem:$0x3FFE];
	_ =	sdelay $0x1  }
0x2: {  	s3 =	srdreg.scid  }
0x3: {  	s0 =	sand.u32 $0x1, s3  }
0x4: {  	s17 =	sshll.u32 s0, $0xA;
	s1 =	sadd.s32 s2, s1  }
0x5: {  	s1 =	sadd.s32 s1, s17  }
0x6: {  	[smem:$0x3F9F] =	sst s1  }
0x7: {  	_ = 	snop  }
0x8: {  	(tm) =	ssettm $0x1  }
0x9: {  	s18 =	sld [smem:$0x3FFB];
	_ =	sdelay $0x3  }
0xa: {  	_ =	strace s18  }
0xb: {  	s1 =	sld [smem:$0x3FFC];
	_ =	sdelay $0x3  }
0xc: {  	_ =	strace s1  }
0xd: {  	s1 =	sld [smem:$0x3FFD];
	_ =	sdelay $0x3  }
0xe: {  	_ =	strace s1  }
0xf: {  	_ =	strace $0x8FFFFFFF  }
0x10: {  	s19 =	sld [smem:$0x3FDB];
	_ =	sdelay $0x1  }
0x11: {  	s20 =	simm.s32 $_scs_section_size  }
0x12: {  	s4 =	simm.s32 $_size__tile_overlayer_lowered;
	s5 =	simm.s32 $_tile_overlayer_lowered  }
0x13: {  	s23 =	simm.s32 $0x1BFF;
	s22 =	sshll.u32 s5, $0x1;
	s1 =	sadd.s32 s20, s19  }
0x14: {  	s6 =	simm.s32 $0x0;
	s21 =	sshll.u32 s4, $0x1;
	s4 =	sadd.s32 s22, s1  }
0x15: {  	[timem:s6], [sflag:s23] =	dma.local [hbm:s4], s21  }
0x16: {  	_ =	swait.ge [sflag:s23], s21  }
0x17: {  	s2 =	ssub.s32 $0x0, s21;
	[sflag:s23] =	ssyncset.done $0x0  }
0x18: {  	[sflag:s23] =	ssyncadd.s32 s2;
	_ =	sdelay $0x1  }
0x19: {  	s24 =	simm.s32 $0x1B8B  }
0x1a: {  	_ =	swait.ge [sflag:s24], $0x1  }
0x1b: {  	[sflag:s24] =	ssyncset.done $0x0  }
0x1c: {  	s26 =	simm.s32 $0x1B8E;
	s25 =	sld [smem:$0x3FFE];
	[sflag:s24] =	ssyncadd.s32 $0xFFFFFFFF  }
0x1d: {  	s27 =	simm.s32 $execute0_lowered;
	[smem:$0x3FD2] =	sst s26  }
0x1e: {  	s4 =	sshll.u32 s27, $0x1;
	_ =	strace $0x80000046;
	[dreg:$0x1] =	wrdreg $0xFFFFFFFF  }
0x1f: {  	s28 =	simm.s32 $_size_execute0_lowered;
	s1 =	sadd.s32 s1, s4;
	[dreg:$0x0] =	wrdreg $0x0  }
0x20: {  	s4 =	sshll.u32 s28, $0x1;
	[dreg:$0x2] =	wrdreg s1  }
0x21: {  	[dreg:$0x3] =	wrdreg s4  }
0x22: {  	[dreg:$0x4] =	wrdreg $0xC0  }
0x23: {  	_ =	task [dreg:s6], $0x5FFFF  }
0x24: {  	[dreg:$0x1] =	wrdreg $0xFFFFFFFF  }
0x25: {  	[dreg:$0x0] =	wrdreg $0x60  }
0x26: {  	[dreg:$0x2] =	wrdreg s25  }
0x27: {  	[dreg:$0x3] =	wrdreg $0x9  }
0x28: {  	_ =	task.clear_ibuf [dreg:s6], $0x4FFFF;
	_ =	strace $0x90000046  }
0x29: {  	s29 =	simm.s32 $0x9;
	_ =	strace $0x80000048  }
0x2a: {  	_ =	swait.ge [sflag:s29], $0x1  }
0x2b: {  	[sflag:s29] =	ssyncadd.s32 $0xFFFFFFFF  }
0x2c: {  	_ =	strace $0x90000048  }
0x2d: {  	_ =	sfence  }
0x2e: {  	s30 =	sld [smem:$0x0];
	_ =	sdelay $0x2  }
0x2f: {  	s31 =	sshll.u32 s3, $0xD;
	s3 =	sshrl.u32 s3, $0x2  }
0x30: {  	s2 =	sand.u32 $0x4000, s31;
	s1 =	sadd.s32 s3, s30  }
0x31: {  	s0 =	sor.u32 s2, s0;
	s1 =	sshll.u32 s1, $0x11  }
0x32: {  	s0 =	sor.u32 s1, s0  }
0x33: {  	s0 =	sadd.s32 $0x8F2B, s0  }
0x34: {  	[sflag:s0] =	ssyncadd.remote.s32 $0x1  }
0x35: {  	_ =	sfence.sel $0xFFFF  }
0x36: {  	[dreg:$0x0] =	wrdreg $0xFFFFFFFF;
	(pc) =	sbr.abs _section_cstart, $3  }
0x37: {  	[dreg:$0x1] =	wrdreg $0xFFFFFFFF  }
0x38: {  	_ =	task.clear_ibuf [dreg:s6], $0x2FFFF;
	_ =	strace $0x9FFFFFFF  }
0x39: {  	(tm) =	ssettm $0x7FFFFFFF  }
tec
execute0_lowered:
.L_overlay_start_1:
0x0: {  	(tag) =	ssettag $0x1  }
0x1: {  	s0 =	stileid.u32;
	s1 =	srdreg.scid;
	s8 =	simm.s32 $0x2  }
0x2: {  	s16 =	simm.s32 $0x0;
	s2 =	sshll.u32 s0, $0x6;
	s1 =	sshll.u32 s1, $0xA  }
0x3: {  	s9 =	simm.s32 $0x4000;
	s14 =	simm.s32 $0x0;
	s1 =	sor.u32 s2, s1  }
0x4: {  	s15 =	simm.s32 $0x0;
	s10 =	simm.s32 $0x0;
	s1 =	sand.u32 $0x780, s1  }
0x5: {  	s13 =	simm.s32 $0x0;
	s2 =	sand.u32 $0x1, s0;
	s3 =	ssub.s32 $0x800, s1  }
0x6: {  	s4 =	ssub.s32 $0x2, s2;
	s12 =	smov.u32 s2;
	s5 =	sand.u32 $0x780, s3  }
0x7: {  	s6 =	sshrl.u32 s4, $0x1;
	p0 =	sne.s32 s5, $0x0;
	s5 =	simm.s32 $0x1  }
0x8: {  	s7 =	sand.u32 $0x1, s4;
	s3 =	sshrl.u32 s3, $0xB;
	s5 =	simm.s32 @!p0 $0x0  }
.Ltmp0:
0x9: {  	s6 =	sadd.s32 s7, s6;
	s5 =	sadd.s32 s5, s3;
	(pc) =	sbr.rel .LBB1_1-.Ltmp0, $4  }
0xa: {  	s4 =	rddreg [dreg:$0x0];
	s11 =	smov.u32 s1;
	s7 =	smul.u32 s5, s6  }
0xb: {  	s3 =	rddreg [dreg:$0x1];
	_ =	strace $0x80000047;
	s6 =	simm.s32 $0x1  }
0xc: {  	p0 =	por $0x0, $0x0;
	[sflag:s6] =	ssyncpa.u1 $0x0;
	s7 =	sshll.u32 s7, $0x4  }
0xd: {  	s5 =	sadd.s32 $0x100000, s4;
	[sflag:s8] =	ssyncpa.u1 $0x0;
	s8 =	sor.u32 $0x1, s7  }
.LBB1_4:
0xe: {  	v5 =	vld [tilespmem:s19+$0xFFFFFFD0]  }
0xf: {  	[tilespmem:s20+$0x2040 ss:$0x81] =	vst.msk $0xffff, v1;
	v58 =	vld [tilespmem:s19+$0xFFFFFFE0]  }
0x10: {  	[tilespmem:s20+$0x2850 ss:$0x81] =	vst.msk $0xffff, v2;
	v59 =	vld [tilespmem:s19+$0xFFFFFFF0]  }
0x11: {  	s21 =	sshra.s32 s21, $0x2;
	[tilespmem:s20+$0x3060 ss:$0x81] =	vst.msk $0xffff, v3;
	v60 =	vld [tilespmem:s19+$0x0]  }
0x12: {  	[tilespmem:s20+$0x0 ss:$0x81] =	vst.msk $0xffff, v0;
	v61 =	vld [tilespmem:s19+$0x10];
	s18 =	sadd.s32 s21, s18  }
0x13: {  	s26 =	sshll.u32 s16, $0xB;
	v62 =	vld [tilespmem:s19+$0x20];
	[tilespmem:s18+$0x3870 ss:$0x81] =	vst.msk $0xffff, v4  }
0x14: {  	s27 =	sand.u32 $0x78, s14;
	s22 =	sshll.u32 s14, $0x3;
	v63 =	vld [tilespmem:s19+$0xFFFFFFC0];
	s29 =	sshll.u32 s16, $0x7;
	[tilespmem:s18+$0x810 ss:$0x81] =	vst.msk $0xffff, v5  }
0x15: {  	s15 =	sshll.u32 s15, $0x13;
	s20 =	sand.u32 $0x3FC000, s26;
	s28 =	sand.u32 $0x3FFC00, s22;
	[tilespmem:s18+$0x1020 ss:$0x81] =	vst.msk $0xffff, v58  }
0x16: {  	s31 =	sand.u32 $0x7, s14;
	s22 =	sand.u32 $0x400, s22;
	s19 =	sadd.s32 s28, s20;
	[tilespmem:s18+$0x1830 ss:$0x81] =	vst.msk $0xffff, v59  }
0x17: {  	s16 =	sand.u32 $0x380, s29;
	s30 =	sor.u32 s27, s22;
	s19 =	sshrl.u32 s19, $0x3;
	[tilespmem:s18+$0x2040 ss:$0x81] =	vst.msk $0xffff, v60  }
0x18: {  	s15 =	sadd.s32 s5, s15;
	s16 =	sor.u32 s16, s30;
	s19 =	sand.u32 $0x7FF00, s19;
	[tilespmem:s18+$0x2850 ss:$0x81] =	vst.msk $0xffff, v61  }
0x19: {  	s14 =	sshll.u32 s31, $0x12;
	s16 =	sshrl.u32 s16, $0x3;
	[tilespmem:s18+$0x3060 ss:$0x81] =	vst.msk $0xffff, v62;
	s15 =	sadd.s32 s19, s15  }
0x1a: {  	s14 =	sor.u32 $0x400, s14;
	[tilespmem:s18+$0x0 ss:$0x81] =	vst.msk $0xffff, v63;
	s15 =	sadd.s32 s16, s15  }
0x1b: {  	[hbm4b:s15+s14] =	stream.strided.scatter [tilespmem:s17], [sflag:$0x2], $0x4000, s9, s14, $0x20;
	[tilespmem:$0x10100] =	vst v63  }
.LBB1_5:
0x1c: {  	s17 =	sadd.s32 $0x80, s10  }
0x1d: {  	s14 =	sadd.s32 $0x800, s11;
	s18 =	smov.u32 s11;
	p2 =	sgt.s32 s17, $0x7FF  }
0x1e: {  	s18 =	smov.u32 @p2 s14  }
0x1f: {  	s20 =	smov.u32 s12;
	s14 =	sadd.s32 $0x2, s12;
	p3 =	sgt.s32 s18, $0x7FF  }
0x20: {  	s20 =	smov.u32 @p3 s14  }
0x21: {  	s17 =	simm.s32 @p2 $0x0;
	p2 =	sgt.s32 s20, $0x1  }
0x22: {  	p1 =	slt.u32 s13, $0x2;
	s20 =	smov.u32 @p2 s2;
	p2 =	sne.s32 s13, s8  }
.Ltmp1:
0x23: {  	s19 =	simm.s32 @!p1 $0x2;
	(pc) =	sbr.rel @!p2 .LBB1_6-.Ltmp1, $4  }
0x24: {  	s16 =	smov.u32 s10;
	s15 =	smov.u32 s12;
	_ =	swait.ge @!p1 [sflag:s19], $0x4000  }
0x25: {  	p0 =	por !p0, !p0;
	[sflag:s19] =	ssyncset.done @!p1 $0x0;
	s10 =	smov.u32 s17  }
0x26: {  	s18 =	smov.u32 @p3 s1;
	s14 =	smov.u32 s11;
	[sflag:s19] =	ssyncadd.s32 @!p1 $0xFFFFC000  }
0x27: {  	s11 =	smov.u32 s18;
	s13 =	sadd.s32 $0x1, s13;
	s12 =	smov.u32 s20  }
.LBB1_1:
0x28: {  	p1 =	sge.u32 s13, s7;
	s31 =	sadd.s32 $0xFFFFFFFF, s13  }
0x29: {  	s17 =	sxor.u32 @!p1 $0xFFFFFFFF, s13;
	s18 =	sand.u32 @!p1 $0x78, s10;
	s19 =	sshll.u32 @!p1 s11, $0xB  }
0x2a: {  	s20 =	sshll.u32 @!p1 s11, $0x7;
	s21 =	sshll.u32 @!p1 s10, $0x3;
	s17 =	sshll.u32 @!p1 s17, $0xE  }
0x2b: {  	s19 =	sand.u32 @!p1 $0x3FC000, s19;
	s20 =	sand.u32 @!p1 $0x380, s20;
	s17 =	sand.u32 @!p1 $0x4000, s17  }
0x2c: {  	s19 =	sadd.s32 @!p1 s19, s21;
	s21 =	sand.u32 @!p1 $0x400, s21;
	s18 =	sor.u32 @!p1 s20, s18  }
0x2d: {  	s20 =	sshll.u32 @!p1 s12, $0x13;
	s18 =	sor.u32 @!p1 s21, s18;
	s19 =	sshrl.u32 @!p1 s19, $0x3  }
0x2e: {  	s20 =	sadd.s32 @!p1 s4, s20;
	s21 =	sand.u32 @!p1 $0x7, s10;
	s19 =	sand.u32 @!p1 $0x7FF00, s19  }
0x2f: {  	s18 =	sshrl.u32 @!p1 s18, $0x3;
	s19 =	sadd.s32 @!p1 s19, s20;
	s20 =	sshll.u32 @!p1 s21, $0x12  }
0x30: {  	s18 =	sadd.s32 @!p1 s18, s19;
	s19 =	sor.u32 @!p1 $0x400, s20;
	s20 =	simm.s32 @!p1 $0x4000  }
0x31: {  	[tilespmem:s17], [sflag:$0x1] =	stream.strided.gather @!p1 [hbm4b:s18+s19], $0x4000, s20, s19, $0x38;
	[tilespmem:$0x10100] =	vst v63  }
0x32: {  	p1 =	sge.u32 s31, s7  }
.Ltmp2:
0x33: {  	_ = 	snop;
	(pc) =	sbr.rel @p1 .LBB1_5-.Ltmp2, $1  }
0x34: {  	_ =	sdelay $0x3  }
0x35: {  	s17 =	simm.s32 $0x1  }
0x36: {  	_ =	swait.ge [sflag:s6], $0x4000;
	s17 =	simm.s32 @!p0 $0x0  }
0x37: {  	[sflag:s6] =	ssyncset.done $0x0;
	s18 =	sshll.u32 s17, $0xE  }
0x38: {  	[sflag:s6] =	ssyncadd.s32 $0xFFFFC000;
	s19 =	sor.u32 $0x40, s18  }
0x39: {  	s17 =	smul.u32 $0x10200, s17;
	v0 =	vld [tilespmem:s19+$0x30]  }
0x3a: {  	v3 =	vld [tilespmem:s19+$0xFFFFFFD0]  }
0x3b: {  	s17 =	sshrl.u32 s17, $0x2;
	v4 =	vld [tilespmem:s19+$0xFFFFFFE0]  }
0x3c: {  	v5 =	vld [tilespmem:s19+$0xFFFFFFF0];
	s18 =	sor.u32 $0x8000, s17  }
0x3d: {  	s31 =	sand.u32 $0x1, s13;
	v1 =	vld [tilespmem:s19+$0x0];
	s20 =	sadd.s32 $0x0, s18  }
0x3e: {  	v2 =	vld [tilespmem:s19+$0x10];
	s17 =	smul.u32 $0x10200, s31;
	[tilespmem:s20+$0x3870 ss:$0x81] =	vst.msk $0xffff, v0  }
0x3f: {  	[tilespmem:s20+$0x810 ss:$0x81] =	vst.msk $0xffff, v3;
	v3 =	vld [tilespmem:s19+$0x20]  }
0x40: {  	s17 =	sshrl.u32 s17, $0x2;
	v0 =	vld [tilespmem:s19+$0xFFFFFFC0];
	[tilespmem:s20+$0x1020 ss:$0x81] =	vst.msk $0xffff, v4;
	s19 =	sadd.s32 $0x80, s19  }
0x41: {  	s21 =	simm.s32 $0x4;
	s22 =	simm.s32 $0x8;
	s17 =	sor.u32 $0x8000, s17;
	[tilespmem:s20+$0x1830 ss:$0x81] =	vst.msk $0xffff, v5;
	v4 =	vld [tilespmem:s19+$0x30]  }
.LBB1_3:
0x42: {  	p1 =	sne.s32 s22, $0x1FC;
	v5 =	vld [tilespmem:s19+$0xFFFFFFD0];
	[tilespmem:s20+$0x2040 ss:$0x81] =	vst.msk $0xffff, v1  }
0x43: {  	v6 =	vld [tilespmem:s19+$0xFFFFFFE0];
	[tilespmem:s20+$0x2850 ss:$0x81] =	vst.msk $0xffff, v2  }
0x44: {  	s23 =	sshra.s32 s21, $0x2;
	s21 =	smov.u32 s22;
	v7 =	vld [tilespmem:s19+$0xFFFFFFF0];
	[tilespmem:s20+$0x3060 ss:$0x81] =	vst.msk $0xffff, v3  }
.Ltmp3:
0x45: {  	v1 =	vld [tilespmem:s19+$0x0];
	[tilespmem:s20+$0x0 ss:$0x81] =	vst.msk $0xffff, v0;
	s20 =	sadd.s32 s23, s18;
	(pc) =	sbr.rel @p1 .LBB1_3-.Ltmp3, $4  }
0x46: {  	v2 =	vld [tilespmem:s19+$0x10];
	[tilespmem:s20+$0x3870 ss:$0x81] =	vst.msk $0xffff, v4  }
0x47: {  	[tilespmem:s20+$0x810 ss:$0x81] =	vst.msk $0xffff, v5;
	v3 =	vld [tilespmem:s19+$0x20]  }
0x48: {  	v0 =	vld [tilespmem:s19+$0xFFFFFFC0];
	[tilespmem:s20+$0x1020 ss:$0x81] =	vst.msk $0xffff, v6;
	s19 =	sadd.s32 $0x80, s19  }
0x49: {  	s22 =	sadd.s32 $0x4, s22;
	v4 =	vld [tilespmem:s19+$0x30];
	[tilespmem:s20+$0x1830 ss:$0x81] =	vst.msk $0xffff, v7  }
.Ltmp4:
0x4a: {  	_ = 	snop;
	(pc) =	sbr.rel .LBB1_4-.Ltmp4, $1  }
0x4b: {  	_ =	sdelay $0x3  }
.LBB1_6:
0x4c: {  	_ =	sfence.sel $0x180000  }
0x4d: {  	s1 =	simm.s32 $0x1;
	[bflag:$0x0] =	sbarrier.arrive $0xFFFF  }
0x4e: {  	s31 =	simm.s32 $0x2;
	[sflag:s1] =	ssyncpa.u1 $0x1  }
0x4f: {  	[sflag:s31] =	ssyncpa.u1 $0x1  }
0x50: {  	p0 =	sne.s32 s0, $0x0;
	_ =	strace $0x90000047  }
0x51: {  	s0 =	sadd.s32 @!p0 $0x100000, s3;
	[bflag:$0x2] =	sbarrier.arrive $0xFFFF  }
0x52: {  	[sflag:s0] =	ssyncadd.tile.s32 @!p0 $0x1;
	_ =	shalt  }
.Lfunc_end1:
_tile_overlayer_lowered:
.L_overlay_start_2:
0x53: {  	(tag) =	ssettag $0x2  }
0x54: {  	s0 =	rddreg [dreg:$0x0];
	s2 =	stileid.u32  }
0x55: {  	s1 =	rddreg [dreg:$0x1];
	p0 =	sne.s32 s2, $0x0  }
0x56: {  	s3 =	rddreg [dreg:$0x2];
	[bflag:$0x3] =	sbarrier.arrive $0xFFFF;
	s2 =	simm.s32 @!p0 $0x1C01  }
0x57: {  	[timem:s3], [sflag:s2] =	dma.local @!p0 [hbm:s0], s1  }
0x58: {  	s0 =	simm.s32 @!p0 $0x1  }
0x59: {  	_ =	swait.ge @!p0 [sflag:s0], s1  }
0x5a: {  	s1 =	ssub.s32 @!p0 $0x0, s1;
	[sflag:s0] =	ssyncset.done @!p0 $0x0  }
0x5b: {  	[sflag:s0] =	ssyncadd.s32 @!p0 s1  }
0x5c: {  	[bflag:$0x3] =	sbarrier.arrive $0xFFFF  }
0x5d: {  	_ =	shalt  }

// kernel: sparse-core-data-format-call.cloned.1.call-start
scs
called_computation_lowered:
.L_overlay_start_0:
0x0: {  	s1 =	sld [smem:$0x3FD9]  }
0x1: {  	s2 =	sld [smem:$0x3FFE];
	_ =	sdelay $0x1  }
0x2: {  	s3 =	srdreg.scid  }
0x3: {  	s0 =	sand.u32 $0x1, s3  }
0x4: {  	s17 =	sshll.u32 s0, $0xA;
	s1 =	sadd.s32 s2, s1  }
0x5: {  	s1 =	sadd.s32 s1, s17  }
0x6: {  	[smem:$0x3F9F] =	sst s1  }
0x7: {  	_ = 	snop  }
0x8: {  	(tm) =	ssettm $0x1  }
0x9: {  	s18 =	sld [smem:$0x3FFB];
	_ =	sdelay $0x3  }
0xa: {  	_ =	strace s18  }
0xb: {  	s1 =	sld [smem:$0x3FFC];
	_ =	sdelay $0x3  }
0xc: {  	_ =	strace s1  }
0xd: {  	s1 =	sld [smem:$0x3FFD];
	_ =	sdelay $0x3  }
0xe: {  	_ =	strace s1  }
0xf: {  	_ =	strace $0x8FFFFFFF  }
0x10: {  	s19 =	sld [smem:$0x3FDB];
	_ =	sdelay $0x1  }
0x11: {  	s20 =	simm.s32 $_scs_section_size  }
0x12: {  	s4 =	simm.s32 $_size__tile_overlayer_lowered;
	s5 =	simm.s32 $_tile_overlayer_lowered  }
0x13: {  	s23 =	simm.s32 $0x1BFF;
	s22 =	sshll.u32 s5, $0x1;
	s1 =	sadd.s32 s20, s19  }
0x14: {  	s6 =	simm.s32 $0x0;
	s21 =	sshll.u32 s4, $0x1;
	s4 =	sadd.s32 s22, s1  }
0x15: {  	[timem:s6], [sflag:s23] =	dma.local [hbm:s4], s21  }
0x16: {  	_ =	swait.ge [sflag:s23], s21  }
0x17: {  	s2 =	ssub.s32 $0x0, s21;
	[sflag:s23] =	ssyncset.done $0x0  }
0x18: {  	[sflag:s23] =	ssyncadd.s32 s2;
	_ =	sdelay $0x1  }
0x19: {  	s24 =	simm.s32 $0x1B8B  }
0x1a: {  	_ =	swait.ge [sflag:s24], $0x1  }
0x1b: {  	[sflag:s24] =	ssyncset.done $0x0  }
0x1c: {  	s26 =	simm.s32 $0x1B8E;
	s25 =	sld [smem:$0x3FFE];
	[sflag:s24] =	ssyncadd.s32 $0xFFFFFFFF  }
0x1d: {  	s27 =	simm.s32 $execute0_lowered;
	[smem:$0x3FD2] =	sst s26  }
0x1e: {  	s4 =	sshll.u32 s27, $0x1;
	_ =	strace $0x8000005E;
	[dreg:$0x1] =	wrdreg $0xFFFFFFFF  }
0x1f: {  	s28 =	simm.s32 $_size_execute0_lowered;
	s1 =	sadd.s32 s1, s4;
	[dreg:$0x0] =	wrdreg $0x0  }
0x20: {  	s4 =	sshll.u32 s28, $0x1;
	[dreg:$0x2] =	wrdreg s1  }
0x21: {  	[dreg:$0x3] =	wrdreg s4  }
0x22: {  	[dreg:$0x4] =	wrdreg $0xC0  }
0x23: {  	_ =	task [dreg:s6], $0x5FFFF  }
0x24: {  	[dreg:$0x1] =	wrdreg $0xFFFFFFFF  }
0x25: {  	[dreg:$0x0] =	wrdreg $0x60  }
0x26: {  	[dreg:$0x2] =	wrdreg s25  }
0x27: {  	[dreg:$0x3] =	wrdreg $0x9  }
0x28: {  	_ =	task.clear_ibuf [dreg:s6], $0x4FFFF;
	_ =	strace $0x9000005E  }
0x29: {  	s29 =	simm.s32 $0x9;
	_ =	strace $0x80000060  }
0x2a: {  	_ =	swait.ge [sflag:s29], $0x1  }
0x2b: {  	[sflag:s29] =	ssyncadd.s32 $0xFFFFFFFF  }
0x2c: {  	_ =	strace $0x90000060  }
0x2d: {  	_ =	sfence  }
0x2e: {  	s30 =	sld [smem:$0x0];
	_ =	sdelay $0x2  }
0x2f: {  	s31 =	sshll.u32 s3, $0xD;
	s3 =	sshrl.u32 s3, $0x2  }
0x30: {  	s2 =	sand.u32 $0x4000, s31;
	s1 =	sadd.s32 s3, s30  }
0x31: {  	s0 =	sor.u32 s2, s0;
	s1 =	sshll.u32 s1, $0x11  }
0x32: {  	s0 =	sor.u32 s1, s0  }
0x33: {  	s0 =	sadd.s32 $0x8F2B, s0  }
0x34: {  	[sflag:s0] =	ssyncadd.remote.s32 $0x1  }
0x35: {  	_ =	sfence.sel $0xFFFF  }
0x36: {  	[dreg:$0x0] =	wrdreg $0xFFFFFFFF;
	(pc) =	sbr.abs _section_cstart, $3  }
0x37: {  	[dreg:$0x1] =	wrdreg $0xFFFFFFFF  }
0x38: {  	_ =	task.clear_ibuf [dreg:s6], $0x2FFFF;
	_ =	strace $0x9FFFFFFF  }
0x39: {  	(tm) =	ssettm $0x7FFFFFFF  }
tec
execute0_lowered:
.L_overlay_start_1:
0x0: {  	(tag) =	ssettag $0x1  }
0x1: {  	s0 =	stileid.u32  }
0x2: {  	s1 =	srdreg.scid;
	s7 =	rddreg [dreg:$0x0];
	s31 =	simm.s32 $0x2  }
0x3: {  	s15 =	simm.s32 $0x0;
	s9 =	simm.s32 $0x60000;
	s16 =	simm.s32 $0x0  }
0x4: {  	s14 =	simm.s32 $0x0;
	s2 =	sshll.u32 s0, $0x6;
	s1 =	sshll.u32 s1, $0xA  }
0x5: {  	s10 =	simm.s32 $0x0;
	s1 =	sor.u32 s2, s1;
	s2 =	sand.u32 $0x1, s0  }
0x6: {  	s13 =	simm.s32 $0x0;
	s3 =	sand.u32 $0x780, s1;
	s4 =	ssub.s32 $0x2, s2  }
0x7: {  	s1 =	rddreg [dreg:$0x1];
	s5 =	ssub.s32 $0xC000, s3;
	s8 =	sshll.u32 s4, $0x1  }
0x8: {  	_ =	strace $0x8000005F;
	s6 =	sand.u32 $0x780, s5;
	s8 =	sand.u32 $0x2, s8  }
0x9: {  	s5 =	sshrl.u32 s5, $0xB;
	p0 =	sne.s32 s6, $0x0;
	s6 =	simm.s32 $0x1  }
.Ltmp0:
0xa: {  	s4 =	sadd.s32 s8, s4;
	s6 =	simm.s32 @!p0 $0x0;
	(pc) =	sbr.rel .LBB1_1-.Ltmp0, $4  }
0xb: {  	s12 =	smov.u32 s2;
	s8 =	sand.u32 $0x6, s4;
	s6 =	sadd.s32 s6, s5  }
0xc: {  	s11 =	smov.u32 s3;
	s5 =	simm.s32 $0x1;
	s6 =	smul.u32 s6, s8  }
0xd: {  	s4 =	sadd.s32 $0x919800, s7;
	s7 =	sadd.s32 $0x619800, s7;
	[sflag:s5] =	ssyncpa.u1 $0x0  }
0xe: {  	p0 =	por $0x0, $0x0;
	[sflag:s31] =	ssyncpa.u1 $0x0;
	s8 =	sor.u32 $0x1, s6  }
.LBB1_4:
0xf: {  	s22 =	sshrl.u32 s15, $0x3  }
0x10: {  	s23 =	sshll.u32 s16, $0x3;
	s31 =	sshll.u32 s15, $0x7;
	s22 =	smul.u32 $0x60000, s22  }
0x11: {  	v5 =	vld [tilespmem:s20+$0xFFFFFFD0];
	[tilespmem:s19+$0x2040 ss:$0x81] =	vst.msk $0xffff, v4;
	s24 =	sand.u32 $0x7F, s16;
	s23 =	sand.u32 $0xFFFFFC00, s23;
	s15 =	sand.u32 $0x380, s31  }
0x12: {  	v58 =	vld [tilespmem:s20+$0xFFFFFFE0];
	[tilespmem:s19+$0x2850 ss:$0x81] =	vst.msk $0xffff, v2;
	s15 =	sor.u32 s24, s15;
	s22 =	sadd.s32 s23, s22  }
0x13: {  	s25 =	sshra.s32 s21, $0x2;
	v59 =	vld [tilespmem:s20+$0xFFFFFFF0];
	[tilespmem:s19+$0x3060 ss:$0x81] =	vst.msk $0xffff, v3;
	s15 =	sor.u32 s22, s15  }
0x14: {  	v60 =	vld [tilespmem:s20+$0x0];
	[tilespmem:s19+$0x0 ss:$0x81] =	vst.msk $0xffff, v0;
	s16 =	sadd.s32 s25, s18;
	s26 =	smulhi.u32 $0xAAAAAAAB, s15  }
0x15: {  	v61 =	vld [tilespmem:s20+$0x10];
	[tilespmem:s16+$0x3870 ss:$0x81] =	vst.msk $0xffff, v1;
	s27 =	smulhi.u32 $0xAAAAAAAB, s22  }
0x16: {  	v62 =	vld [tilespmem:s20+$0x20];
	[tilespmem:s16+$0x810 ss:$0x81] =	vst.msk $0xffff, v5;
	s18 =	sshrl.u32 s26, $0xF  }
0x17: {  	v63 =	vld [tilespmem:s20+$0xFFFFFFC0];
	[tilespmem:s16+$0x1020 ss:$0x81] =	vst.msk $0xffff, v58;
	s19 =	sshrl.u32 s27, $0xF;
	s18 =	smul.u32 $0xC000, s18  }
0x18: {  	s14 =	smul.u32 $0x180000, s14;
	[tilespmem:s16+$0x1830 ss:$0x81] =	vst.msk $0xffff, v59;
	s19 =	sand.u32 $0xFF, s19  }
0x19: {  	[tilespmem:s16+$0x2040 ss:$0x81] =	vst.msk $0xffff, v60;
	s28 =	smul.u32 $0x1800, s19;
	s15 =	ssub.s32 s15, s18  }
0x1a: {  	s14 =	sadd.s32 s7, s14;
	[tilespmem:s16+$0x2850 ss:$0x81] =	vst.msk $0xffff, v61;
	s29 =	sand.u32 $0x7, s15  }
0x1b: {  	[tilespmem:s16+$0x3060 ss:$0x81] =	vst.msk $0xffff, v62;
	s14 =	sadd.s32 s28, s14;
	s15 =	sshrl.u32 s15, $0x3;
	s30 =	sshll.u32 s29, $0x12  }
0x1c: {  	[tilespmem:s16+$0x0 ss:$0x81] =	vst.msk $0xffff, v63;
	s14 =	sadd.s32 s15, s14;
	s31 =	sor.u32 $0x400, s30  }
0x1d: {  	[hbm4b:s14+s31] =	stream.strided.scatter [tilespmem:s17], [sflag:$0x2], $0x4000, s9, s31, $0x20;
	[tilespmem:$0x10100] =	vst v63  }
.LBB1_5:
0x1e: {  	s17 =	sadd.s32 $0x80, s10  }
0x1f: {  	s14 =	sadd.s32 $0x800, s11;
	s18 =	smov.u32 s11;
	p2 =	sgt.s32 s17, $0xFF  }
0x20: {  	s18 =	smov.u32 @p2 s14  }
0x21: {  	s20 =	smov.u32 s12;
	s14 =	sadd.s32 $0x2, s12;
	p3 =	sgt.s32 s18, $0xBFFF  }
0x22: {  	s20 =	smov.u32 @p3 s14  }
0x23: {  	s17 =	simm.s32 @p2 $0x0;
	p2 =	sgt.s32 s20, $0x1  }
0x24: {  	p1 =	slt.u32 s13, $0x2;
	s20 =	smov.u32 @p2 s2;
	p2 =	sne.s32 s13, s8  }
.Ltmp1:
0x25: {  	s19 =	simm.s32 @!p1 $0x2;
	(pc) =	sbr.rel @!p2 .LBB1_6-.Ltmp1, $4  }
0x26: {  	s15 =	smov.u32 s10;
	s16 =	smov.u32 s11;
	_ =	swait.ge @!p1 [sflag:s19], $0x4000  }
0x27: {  	p0 =	por !p0, !p0;
	[sflag:s19] =	ssyncset.done @!p1 $0x0;
	s10 =	smov.u32 s17  }
0x28: {  	s18 =	smov.u32 @p3 s3;
	s14 =	smov.u32 s12;
	[sflag:s19] =	ssyncadd.s32 @!p1 $0xFFFFC000  }
0x29: {  	s11 =	smov.u32 s18;
	s13 =	sadd.s32 $0x1, s13;
	s12 =	smov.u32 s20  }
.LBB1_1:
0x2a: {  	p1 =	sge.u32 s13, s6  }
0x2b: {  	s17 =	sshll.u32 @!p1 s11, $0x8;
	s18 =	sshll.u32 @!p1 s10, $0x3  }
0x2c: {  	s19 =	sshll.u32 @!p1 s11, $0x7;
	s17 =	sand.u32 @!p1 $0xFFFFF800, s17;
	s18 =	sand.u32 @!p1 $0xFFFFFC00, s18  }
0x2d: {  	s17 =	sadd.s32 @!p1 s17, s18;
	s18 =	sand.u32 @!p1 $0x300, s19  }
0x2e: {  	s17 =	sor.u32 @!p1 s18, s17  }
0x2f: {  	s17 =	sshrl.u32 @!p1 s17, $0x8  }
0x30: {  	s18 =	smulhi.u32 @!p1 $0xAAAAAB, s17  }
0x31: {  	s31 =	sadd.s32 $0xFFFFFFFF, s13;
	s20 =	sxor.u32 @!p1 $0xFFFFFFFF, s13  }
0x32: {  	s21 =	sand.u32 @!p1 $0x78, s10;
	s22 =	smul.u32 @!p1 $0x180000, s12;
	s18 =	sshrl.u32 @!p1 s18, $0x7  }
0x33: {  	s20 =	sshll.u32 @!p1 s20, $0xE;
	s19 =	sand.u32 @!p1 $0x80, s19;
	s18 =	smul.u32 @!p1 $0xC000, s18  }
0x34: {  	s20 =	sand.u32 @!p1 $0x4000, s20;
	s19 =	sor.u32 @!p1 s21, s19;
	s21 =	sand.u32 @!p1 $0x7, s10  }
0x35: {  	s17 =	ssub.s32 @!p1 s17, s18;
	s18 =	sshrl.u32 @!p1 s19, $0x3;
	s19 =	sadd.s32 @!p1 s4, s22  }
0x36: {  	s17 =	sshll.u32 @!p1 s17, $0x5;
	s18 =	sadd.s32 @!p1 s18, s19;
	s19 =	sshll.u32 @!p1 s21, $0x12  }
0x37: {  	s17 =	sadd.s32 @!p1 s17, s18;
	s18 =	sor.u32 @!p1 $0x400, s19;
	s19 =	simm.s32 @!p1 $0x800  }
0x38: {  	[tilespmem:s20], [sflag:$0x1] =	stream.strided.gather @!p1 [hbm4b:s17+s18], $0x4000, s19, s18, $0x38;
	[tilespmem:$0x10100] =	vst v63  }
0x39: {  	p1 =	sge.u32 s31, s6  }
.Ltmp2:
0x3a: {  	_ = 	snop;
	(pc) =	sbr.rel @p1 .LBB1_5-.Ltmp2, $1  }
0x3b: {  	_ =	sdelay $0x3  }
0x3c: {  	s17 =	simm.s32 $0x1  }
0x3d: {  	_ =	swait.ge [sflag:s5], $0x4000;
	s17 =	simm.s32 @!p0 $0x0  }
0x3e: {  	[sflag:s5] =	ssyncset.done $0x0;
	s18 =	sshll.u32 s17, $0xE  }
0x3f: {  	[sflag:s5] =	ssyncadd.s32 $0xFFFFC000;
	s20 =	sor.u32 $0x40, s18  }
0x40: {  	s17 =	smul.u32 $0x10200, s17;
	v0 =	vld [tilespmem:s20+$0x30]  }
0x41: {  	v1 =	vld [tilespmem:s20+$0xFFFFFFD0]  }
0x42: {  	s17 =	sshrl.u32 s17, $0x2;
	v5 =	vld [tilespmem:s20+$0xFFFFFFE0]  }
0x43: {  	v6 =	vld [tilespmem:s20+$0xFFFFFFF0];
	s18 =	sor.u32 $0x8000, s17  }
0x44: {  	s31 =	sand.u32 $0x1, s13;
	v4 =	vld [tilespmem:s20+$0x0];
	s19 =	sadd.s32 $0x0, s18  }
0x45: {  	v2 =	vld [tilespmem:s20+$0x10];
	s17 =	smul.u32 $0x10200, s31;
	[tilespmem:s19+$0x3870 ss:$0x81] =	vst.msk $0xffff, v0  }
0x46: {  	v3 =	vld [tilespmem:s20+$0x20];
	[tilespmem:s19+$0x810 ss:$0x81] =	vst.msk $0xffff, v1  }
0x47: {  	s17 =	sshrl.u32 s17, $0x2;
	v0 =	vld [tilespmem:s20+$0xFFFFFFC0];
	[tilespmem:s19+$0x1020 ss:$0x81] =	vst.msk $0xffff, v5;
	s20 =	sadd.s32 $0x80, s20  }
0x48: {  	s21 =	simm.s32 $0x4;
	s22 =	simm.s32 $0x8;
	s17 =	sor.u32 $0x8000, s17;
	[tilespmem:s19+$0x1830 ss:$0x81] =	vst.msk $0xffff, v6;
	v1 =	vld [tilespmem:s20+$0x30]  }
.LBB1_3:
0x49: {  	p1 =	sne.s32 s22, $0x1FC;
	v5 =	vld [tilespmem:s20+$0xFFFFFFD0];
	[tilespmem:s19+$0x2040 ss:$0x81] =	vst.msk $0xffff, v4  }
0x4a: {  	v6 =	vld [tilespmem:s20+$0xFFFFFFE0];
	[tilespmem:s19+$0x2850 ss:$0x81] =	vst.msk $0xffff, v2  }
0x4b: {  	s23 =	sshra.s32 s21, $0x2;
	s21 =	smov.u32 s22;
	v7 =	vld [tilespmem:s20+$0xFFFFFFF0];
	[tilespmem:s19+$0x3060 ss:$0x81] =	vst.msk $0xffff, v3  }
.Ltmp3:
0x4c: {  	v4 =	vld [tilespmem:s20+$0x0];
	[tilespmem:s19+$0x0 ss:$0x81] =	vst.msk $0xffff, v0;
	s19 =	sadd.s32 s23, s18;
	(pc) =	sbr.rel @p1 .LBB1_3-.Ltmp3, $4  }
0x4d: {  	v2 =	vld [tilespmem:s20+$0x10];
	[tilespmem:s19+$0x3870 ss:$0x81] =	vst.msk $0xffff, v1  }
0x4e: {  	[tilespmem:s19+$0x810 ss:$0x81] =	vst.msk $0xffff, v5;
	v3 =	vld [tilespmem:s20+$0x20]  }
0x4f: {  	v0 =	vld [tilespmem:s20+$0xFFFFFFC0];
	[tilespmem:s19+$0x1020 ss:$0x81] =	vst.msk $0xffff, v6;
	s20 =	sadd.s32 $0x80, s20  }
0x50: {  	s22 =	sadd.s32 $0x4, s22;
	v1 =	vld [tilespmem:s20+$0x30];
	[tilespmem:s19+$0x1830 ss:$0x81] =	vst.msk $0xffff, v7  }
.Ltmp4:
0x51: {  	_ = 	snop;
	(pc) =	sbr.rel .LBB1_4-.Ltmp4, $1  }
0x52: {  	_ =	sdelay $0x3  }
.LBB1_6:
0x53: {  	_ =	sfence.sel $0x180000  }
0x54: {  	s2 =	simm.s32 $0x1;
	[bflag:$0x0] =	sbarrier.arrive $0xFFFF  }
0x55: {  	s31 =	simm.s32 $0x2;
	[sflag:s2] =	ssyncpa.u1 $0x1  }
0x56: {  	[sflag:s31] =	ssyncpa.u1 $0x1  }
0x57: {  	p0 =	sne.s32 s0, $0x0;
	_ =	strace $0x9000005F  }
0x58: {  	s0 =	sadd.s32 @!p0 $0x100000, s1;
	[bflag:$0x2] =	sbarrier.arrive $0xFFFF  }
0x59: {  	[sflag:s0] =	ssyncadd.tile.s32 @!p0 $0x1;
	_ =	shalt  }
.Lfunc_end1:
_tile_overlayer_lowered:
.L_overlay_start_2:
0x5a: {  	(tag) =	ssettag $0x2  }
0x5b: {  	s0 =	rddreg [dreg:$0x0];
	s2 =	stileid.u32  }
0x5c: {  	s1 =	rddreg [dreg:$0x1];
	p0 =	sne.s32 s2, $0x0  }
0x5d: {  	s3 =	rddreg [dreg:$0x2];
	[bflag:$0x3] =	sbarrier.arrive $0xFFFF;
	s2 =	simm.s32 @!p0 $0x1C01  }
0x5e: {  	[timem:s3], [sflag:s2] =	dma.local @!p0 [hbm:s0], s1  }
0x5f: {  	s0 =	simm.s32 @!p0 $0x1  }
0x60: {  	_ =	swait.ge @!p0 [sflag:s0], s1  }
0x61: {  	s1 =	ssub.s32 @!p0 $0x0, s1;
	[sflag:s0] =	ssyncset.done @!p0 $0x0  }
0x62: {  	[sflag:s0] =	ssyncadd.s32 @!p0 s1  }
0x63: {  	[bflag:$0x3] =	sbarrier.arrive $0xFFFF  }
0x64: {  	_ =	shalt  }

</sc_bundles>
